<compile_context>
chip_gen: v7x
topology: tpu7x:2x2x1
jax: 0.10.2.dev20260603
libtpu: 0.0.44.dev20260713+nightly
codegen_flags: <defaults>
</compile_context>

<pallas_src>
import functools

import jax
import jax.numpy as jnp
import numpy as np
from jax import lax
from jax.experimental import pallas as pl
from jax.experimental.pallas import tpu as pltpu
from jax.experimental.pallas import tpu_sc as plsc

B, F, D = 16384, 26, 16
V = 2600000
_info = plsc.get_sparse_core_info()
NC, NS, L = _info.num_cores, _info.num_subcores, _info.num_lanes
NW = NC * NS

SLAB = 1024
NFULL = (V // 128) // 8
VREM0 = NFULL * SLAB
VREM = V - VREM0
APW = -(-NFULL // NW)

NFG = 2
FPG = F // NFG
NBS = NW // NFG
BPW = B // NBS
DG = D // 8
PLANE = (B // 128) * 8 * 128
WSLICE = (BPW // 128) * 8 * 128

_FIELD_DIMS = [100000] * F
_OFFSETS = np.concatenate([[0], np.cumsum(_FIELD_DIMS)[:-1]]).astype(np.int32)
_OFF_TAB = np.repeat(_OFFSETS[:, None], L, axis=1)
_BASEVEC = ((np.arange(L) // 8) * (8 * BPW)
            + (np.arange(L) % 8) * 128).astype(np.int32)
_OFF_ARG = np.concatenate([_OFF_TAB, _BASEVEC[None, :]], axis=0)


def _transpose_kernel(tt_hbm, trem_hbm, tlin_hbm, in0, in1, ob0, ob1,
                      rsem0, rsem1, wsem0, wsem1):
    wid = lax.axis_index("s") * NC + lax.axis_index("c")
    c0 = wid * APW
    end = jnp.minimum(c0 + APW, NFULL)
    iota = lax.iota(jnp.int32, L)

    ins = (in0, in1)
    obs = (ob0, ob1)
    rsems = (rsem0, rsem1)
    wsems = (wsem0, wsem1)

    def read(c, p):
        pltpu.async_copy(tt_hbm.at[:, pl.ds(c * SLAB, SLAB)], ins[p], rsems[p])

    def wait_read(p):
        pltpu.make_async_copy(tt_hbm.at[:, pl.ds(0, SLAB)], ins[p],
                              rsems[p]).wait()

    def write(c, p):
        pltpu.async_copy(obs[p], tlin_hbm.at[pl.ds(c * SLAB * D, SLAB * D)],
                         wsems[p])

    def wait_write(p):
        pltpu.make_async_copy(obs[p], tlin_hbm.at[pl.ds(0, SLAB * D)],
                              wsems[p]).wait()

    def transpose(p):
        inb, ob = ins[p], obs[p]
        @plsc.parallel_loop(0, SLAB // L, unroll=2)
        def _(j):
            jbase = iota * D + j * (L * D)
            for d in range(D):
                row = inb[d, pl.ds(j * L, L)]
                plsc.store_scatter(ob, [jbase + d], row)

    @pl.when(c0 < end)
    def _():
        read(c0, 0)

    def pair(k, carry):
        c = c0 + 2 * k

        @pl.when(c < end)
        def _():
            @pl.when(c + 1 < end)
            def _():
                read(c + 1, 1)
            wait_read(0)
            @pl.when(k > 0)
            def _():
                wait_write(0)
            transpose(0)
            write(c, 0)

        @pl.when(c + 1 < end)
        def _():
            @pl.when(c + 2 < end)
            def _():
                read(c + 2, 0)
            wait_read(1)
            @pl.when(k > 0)
            def _():
                wait_write(1)
            transpose(1)
            write(c + 1, 1)
        return carry

    lax.fori_loop(0, (APW + 1) // 2, pair, 0)

    nmine = jnp.maximum(end - c0, 0)
    @pl.when(nmine >= 1)
    def _():
        wait_write(0)
    @pl.when(nmine >= 2)
    def _():
        wait_write(1)

    @pl.when(wid == NW - 1)
    def _():
        pltpu.sync_copy(trem_hbm, ob0.at[pl.ds(0, VREM * D)])
        pltpu.sync_copy(ob0.at[pl.ds(0, VREM * D)],
                        tlin_hbm.at[pl.ds(VREM0 * D, VREM * D)])


@jax.jit
def _relayout(tt, trem):
    return pl.kernel(
        _transpose_kernel,
        out_type=jax.ShapeDtypeStruct((V * D,), jnp.float32),
        mesh=plsc.VectorSubcoreMesh(core_axis_name="c", subcore_axis_name="s"),
        scratch_types=[
            pltpu.VMEM((L, SLAB), jnp.float32),
            pltpu.VMEM((L, SLAB), jnp.float32),
            pltpu.VMEM((SLAB * D,), jnp.float32),
            pltpu.VMEM((SLAB * D,), jnp.float32),
            pltpu.SemaphoreType.DMA,
            pltpu.SemaphoreType.DMA,
            pltpu.SemaphoreType.DMA,
            pltpu.SemaphoreType.DMA,
        ],
        compiler_params=pltpu.CompilerParams(needs_layout_passes=False),
    )(tt, trem)


def _lookup_kernel(xt_hbm, off_hbm, t2d_hbm, out_hbm, idx_v, off_v, bv_v,
                   r0, r1, t0, t1, gsem0, gsem1, wsem0, wsem1):
    wid = lax.axis_index("s") * NC + lax.axis_index("c")
    fg = wid // NBS
    bs = wid % NBS
    f0 = fg * FPG
    b0 = bs * BPW
    pltpu.sync_copy(xt_hbm.at[pl.ds(f0, FPG), pl.ds(b0, BPW)], idx_v)
    pltpu.sync_copy(off_hbm.at[pl.ds(f0, FPG)], off_v)
    pltpu.sync_copy(off_hbm.at[pl.ds(F, 1)], bv_v)
    basevec = bv_v[0, :]

    def add_off(fi, carry):
        off_reg = off_v[fi, :]
        def body(j, c):
            sl = pl.ds(j * L, L)
            idx_v[fi, sl] = idx_v[fi, sl] + off_reg
            return c
        return lax.fori_loop(0, BPW // L, body, carry)

    lax.fori_loop(0, FPG, add_off, 0)

    rbufs = (r0, r1)
    tbufs = (t0, t1)
    gsems = (gsem0, gsem1)
    wsems = (wsem0, wsem1)

    def fire_gather(fi, p):
        pltpu.async_copy(t2d_hbm.at[idx_v.at[fi]], rbufs[p], gsems[p])

    def wait_gather(p):
        pltpu.make_async_copy(t2d_hbm.at[idx_v.at[0]], rbufs[p],
                              gsems[p]).wait()

    def fire_writes(fi, p):
        for dg in range(DG):
            pltpu.async_copy(
                tbufs[p].at[pl.ds(dg * WSLICE, WSLICE)],
                out_hbm.at[f0 + fi, dg, pl.ds(bs * WSLICE, WSLICE)],
                wsems[p])

    def wait_writes(p):
        for dg in range(DG):
            pltpu.make_async_copy(
                tbufs[p].at[pl.ds(dg * WSLICE, WSLICE)],
                out_hbm.at[0, dg, pl.ds(0, WSLICE)], wsems[p]).wait()

    def transpose(p):
        rb, tb = rbufs[p], tbufs[p]
        def bt_body(bt, carry):
            @plsc.parallel_loop(0, 128, unroll=2)
            def _(bl):
                row = rb[bt * 128 + bl, :]
                plsc.store_scatter(tb, [basevec + (bt * 1024 + bl)], row)
            return carry
        lax.fori_loop(0, BPW // 128, bt_body, 0)

    fire_gather(0, 0)
    for fi in range(FPG):
        p = fi % 2
        if fi + 1 < FPG:
            fire_gather(fi + 1, (fi + 1) % 2)
        wait_gather(p)
        if fi >= 2:
            wait_writes(p)
        transpose(p)
        fire_writes(fi, p)
    wait_writes((FPG - 1) % 2)
    wait_writes((FPG - 2) % 2)


@jax.jit
def _lookup(xt, off, t2d):
    return pl.kernel(
        _lookup_kernel,
        out_type=jax.ShapeDtypeStruct((F, DG, PLANE), jnp.float32),
        mesh=plsc.VectorSubcoreMesh(core_axis_name="c", subcore_axis_name="s"),
        scratch_types=[
            pltpu.VMEM((FPG, BPW), jnp.int32),
            pltpu.VMEM((FPG, L), jnp.int32),
            pltpu.VMEM((1, L), jnp.int32),
            pltpu.VMEM((BPW, D), jnp.float32),
            pltpu.VMEM((BPW, D), jnp.float32),
            pltpu.VMEM((DG * WSLICE,), jnp.float32),
            pltpu.VMEM((DG * WSLICE,), jnp.float32),
            pltpu.SemaphoreType.DMA,
            pltpu.SemaphoreType.DMA,
            pltpu.SemaphoreType.DMA,
            pltpu.SemaphoreType.DMA,
        ],
        compiler_params=pltpu.CompilerParams(use_tc_tiling_on_sc=False,
                                             needs_layout_passes=False),
    )(xt, off, t2d)


def kernel(x, table):
    off = jnp.asarray(_OFF_ARG)
    trem = table[VREM0:].reshape(-1)
    tlin = _relayout(table.T, trem)
    t2d = tlin.reshape(V, D)
    out3 = _lookup(x.T, off, t2d)
    out5 = out3.reshape(F, DG, B // 128, 8, 128)
    return jnp.transpose(out5, (2, 4, 0, 1, 3)).reshape(B, F, D)

# --- scband reference (transcript-rebuilt; emitter-appended) ---
"""Pipeline reference for scband-features-embedding-10763188044025 (READ-ONLY COPY).

The authoritative reference and input builder live on the scoring server;
editing this copy changes nothing except your own understanding.
"""

import jax, jax.numpy as jnp
import numpy as np

FIELD_DIMS = [100000] * 26
EMBED_DIM = 16
TOTAL_DIM = sum(FIELD_DIMS)
OFFSETS = jnp.asarray(np.concatenate([[0], np.cumsum(FIELD_DIMS)[:-1]]).astype(np.int32))


def setup_inputs(seed: int = 0) -> dict:
    key = jax.random.key(seed)
    k1, k2 = jax.random.split(key)
    x = jax.random.randint(k1, (16384, 26), 0, 100000, dtype=jnp.int32)
    # Glorot uniform init for the embedding table, matching keras GlorotUniform
    limit = float(np.sqrt(6.0 / (TOTAL_DIM + EMBED_DIM)))
    table = jax.random.uniform(k2, (TOTAL_DIM, EMBED_DIM), minval=-limit, maxval=limit, dtype=jnp.float32)
    return {"x": x, "table": table}


def reference(x, table):
    # x: int[B, F] per-field indices; add per-field offsets into the fused table
    idx = x + OFFSETS[None, :].astype(x.dtype)
    # embedding lookup -> [B, F, embed_dim]
    return jnp.take(table, idx, axis=0)

if __name__ == "__main__":
    import jax
    _d = setup_inputs()
    print(jax.jit(kernel)(*tuple(_d.values())))

</pallas_src>

<mosaic_0001>
#map = affine_map<(d0, d1) -> (0, 0)>
#map1 = affine_map<(d0, d1) -> (0)>
module attributes {stable_mosaic.version = 14 : i64} {
  func.func @_transpose_kernel(%arg0: i32, %arg1: i32, %arg2: memref<16x2600000xf32, #tpu.memory_space<hbm>>, %arg3: memref<1024xf32, #tpu.memory_space<hbm>>, %arg4: memref<41600000xf32, #tpu.memory_space<hbm>>, %arg5: memref<16x1024xf32, #tpu.memory_space<vmem>>, %arg6: memref<16x1024xf32, #tpu.memory_space<vmem>>, %arg7: memref<16384xf32, #tpu.memory_space<vmem>>, %arg8: memref<16384xf32, #tpu.memory_space<vmem>>, %arg9: memref<!tpu.dma_semaphore, #tpu.memory_space<semaphore_mem>>, %arg10: memref<!tpu.dma_semaphore, #tpu.memory_space<semaphore_mem>>, %arg11: memref<!tpu.dma_semaphore, #tpu.memory_space<semaphore_mem>>, %arg12: memref<!tpu.dma_semaphore, #tpu.memory_space<semaphore_mem>>) attributes {dimension_semantics = [#tpu.dimension_semantics<core_parallel>, #tpu.dimension_semantics<subcore_parallel>], iteration_bounds = array<i64: 2, 16>, scalar_prefetch = 0 : i64, scratch_operands = 8 : i64, tpu.core_type = #tpu.core_type<sc_vector_subcore>, window_params = [{transform_indices = #map}, {transform_indices = #map1}, {transform_indices = #map1}]} {
    %mul3A = arith.constant 2 : i32
    %mul3A_0 = arith.muli %arg1, %mul3A : i32
    %add3A = arith.addi %mul3A_0, %arg0 : i32
    %mul3A_1 = arith.constant 80 : i32
    %mul3A_2 = arith.muli %add3A, %mul3A_1 : i32
    %add3A_3 = arith.constant 80 : i32
    %add3A_4 = arith.addi %mul3A_2, %add3A_3 : i32
    %min3A = arith.constant 2539 : i32
    %min3A_5 = arith.minsi %add3A_4, %min3A : i32
    %iota3A = tpu.iota {dimensions = array<i32: 0>} : vector<16xi32>
    %lt3A = arith.cmpi slt, %mul3A_2, %min3A_5 : i32
    %convert_element_type3A = arith.extui %lt3A : i1 to i32
    %cond3A = arith.constant 0 : i32
    %cond3A_6 = arith.cmpi ne, %convert_element_type3A, %cond3A : i32
    scf.if %cond3A_6 {
      %mul3A_26 = arith.constant 1024 : i32
      %mul3A_27 = arith.muli %mul3A_2, %mul3A_26 : i32
      %dma_start3A = arith.constant 0 : i32
      %dma_start3A_28 = tpu.memref_slice %arg2[%dma_start3A, %mul3A_27] : memref<16x2600000xf32, #tpu.memory_space<hbm>> -> memref<16x1024xf32, #tpu.memory_space<hbm>>
      %dma_start3A_29 = arith.constant 0 : i32
      %dma_start3A_30 = tpu.memref_slice %arg2[%dma_start3A_29, %mul3A_27] : memref<16x2600000xf32, #tpu.memory_space<hbm>> -> memref<16x1024xf32, #tpu.memory_space<hbm>>
      tpu.enqueue_dma source(%dma_start3A_30 : memref<16x1024xf32, #tpu.memory_space<hbm>>) target(%arg5 : memref<16x1024xf32, #tpu.memory_space<vmem>>) target_semaphore(%arg9 : memref<!tpu.dma_semaphore, #tpu.memory_space<semaphore_mem>>)
    } else {
    }
    %scan3A = arith.constant 0 : i32
    %scan3A_7 = arith.constant 0 : i32
    %scan3A_8 = arith.constant 40 : i32
    %scan3A_9 = arith.addi %scan3A_7, %scan3A_8 : i32
    %scan3A_10 = arith.constant 1 : i32
    scf.for %scan3A_26 = %scan3A_7 to %scan3A_9 step %scan3A_10  : i32 {
      %mul3A_27 = arith.constant 2 : i32
      %mul3A_28 = arith.muli %mul3A_27, %scan3A_26 : i32
      %add3A_29 = arith.addi %mul3A_2, %mul3A_28 : i32
      %lt3A_30 = arith.cmpi slt, %add3A_29, %min3A_5 : i32
      %convert_element_type3A_31 = arith.extui %lt3A_30 : i1 to i32
      %cond3A_32 = arith.constant 0 : i32
      %cond3A_33 = arith.cmpi ne, %convert_element_type3A_31, %cond3A_32 : i32
      scf.if %cond3A_33 {
        %add3A_40 = arith.constant 1 : i32
        %add3A_41 = arith.addi %add3A_29, %add3A_40 : i32
        %lt3A_42 = arith.cmpi slt, %add3A_41, %min3A_5 : i32
        %convert_element_type3A_43 = arith.extui %lt3A_42 : i1 to i32
        %cond3A_44 = arith.constant 0 : i32
        %cond3A_45 = arith.cmpi ne, %convert_element_type3A_43, %cond3A_44 : i32
        scf.if %cond3A_45 {
          %add3A_62 = arith.constant 1 : i32
          %add3A_63 = arith.addi %add3A_29, %add3A_62 : i32
          %mul3A_64 = arith.constant 1024 : i32
          %mul3A_65 = arith.muli %add3A_63, %mul3A_64 : i32
          %dma_start3A_66 = arith.constant 0 : i32
          %dma_start3A_67 = tpu.memref_slice %arg2[%dma_start3A_66, %mul3A_65] : memref<16x2600000xf32, #tpu.memory_space<hbm>> -> memref<16x1024xf32, #tpu.memory_space<hbm>>
          %dma_start3A_68 = arith.constant 0 : i32
          %dma_start3A_69 = tpu.memref_slice %arg2[%dma_start3A_68, %mul3A_65] : memref<16x2600000xf32, #tpu.memory_space<hbm>> -> memref<16x1024xf32, #tpu.memory_space<hbm>>
          tpu.enqueue_dma source(%dma_start3A_69 : memref<16x1024xf32, #tpu.memory_space<hbm>>) target(%arg6 : memref<16x1024xf32, #tpu.memory_space<vmem>>) target_semaphore(%arg10 : memref<!tpu.dma_semaphore, #tpu.memory_space<semaphore_mem>>)
        } else {
        }
        %dma_wait3A = arith.constant 0 : i32
        %dma_wait3A_46 = arith.constant 0 : i32
        %dma_wait3A_47 = tpu.memref_slice %arg2[%dma_wait3A, %dma_wait3A_46] : memref<16x2600000xf32, #tpu.memory_space<hbm>> -> memref<16x1024xf32, #tpu.memory_space<hbm>>
        %dma_wait3A_48 = arith.constant 0 : i32
        %dma_wait3A_49 = arith.constant 0 : i32
        %dma_wait3A_50 = tpu.memref_slice %arg2[%dma_wait3A_48, %dma_wait3A_49] : memref<16x2600000xf32, #tpu.memory_space<hbm>> -> memref<16x1024xf32, #tpu.memory_space<hbm>>
        tpu.wait_dma2 semaphore(%arg9 : memref<!tpu.dma_semaphore, #tpu.memory_space<semaphore_mem>>) src(%dma_wait3A_50 : memref<16x1024xf32, #tpu.memory_space<hbm>>) dst(%arg5 : memref<16x1024xf32, #tpu.memory_space<vmem>>)
        %gt3A = arith.constant 0 : i32
        %gt3A_51 = arith.cmpi sgt, %scan3A_26, %gt3A : i32
        %convert_element_type3A_52 = arith.extui %gt3A_51 : i1 to i32
        %cond3A_53 = arith.constant 0 : i32
        %cond3A_54 = arith.cmpi ne, %convert_element_type3A_52, %cond3A_53 : i32
        scf.if %cond3A_54 {
          %dma_wait3A_62 = arith.constant 0 : i32
          %dma_wait3A_63 = tpu.memref_slice %arg4[%dma_wait3A_62] : memref<41600000xf32, #tpu.memory_space<hbm>> -> memref<16384xf32, #tpu.memory_space<hbm>>
          %dma_wait3A_64 = arith.constant 0 : i32
          %dma_wait3A_65 = tpu.memref_slice %arg4[%dma_wait3A_64] : memref<41600000xf32, #tpu.memory_space<hbm>> -> memref<16384xf32, #tpu.memory_space<hbm>>
          tpu.wait_dma2 semaphore(%arg11 : memref<!tpu.dma_semaphore, #tpu.memory_space<semaphore_mem>>) src(%arg7 : memref<16384xf32, #tpu.memory_space<vmem>>) dst(%dma_wait3A_65 : memref<16384xf32, #tpu.memory_space<hbm>>)
        } else {
        }
        %parallel_loop3A = arith.constant 0 : i32
        %parallel_loop3A_55 = arith.constant 64 : i32
        %parallel_loop3A_56 = arith.constant 1 : i32
        scf.for %parallel_loop3A_62 = %parallel_loop3A to %parallel_loop3A_55 step %parallel_loop3A_56  : i32 {
          %parallel_loop3A_63 = arith.constant 16 : i32
          %parallel_loop3A_64 = vector.broadcast %parallel_loop3A_63 : i32 to vector<16xi32>
          %parallel_loop3A_65 = arith.muli %iota3A, %parallel_loop3A_64 : vector<16xi32>
          %parallel_loop3A_66 = arith.constant 256 : i32
          %parallel_loop3A_67 = arith.muli %parallel_loop3A_62, %parallel_loop3A_66 : i32
          %parallel_loop3A_68 = vector.broadcast %parallel_loop3A_67 : i32 to vector<16xi32>
          %parallel_loop3A_69 = arith.addi %parallel_loop3A_65, %parallel_loop3A_68 : vector<16xi32>
          %parallel_loop3A_70 = arith.constant 16 : i32
          %parallel_loop3A_71 = arith.muli %parallel_loop3A_62, %parallel_loop3A_70 : i32
          %parallel_loop3A_72 = arith.constant 0 : i32
          %parallel_loop3A_73 = arith.index_cast %parallel_loop3A_72 : i32 to index
          %parallel_loop3A_74 = arith.index_cast %parallel_loop3A_71 : i32 to index
          %parallel_loop3A_75 = tpu.vector_load %arg5[%parallel_loop3A_73, %parallel_loop3A_74] {strides = array<i32>} : memref<16x1024xf32, #tpu.memory_space<vmem>>, vector<16xf32>,
          %parallel_loop3A_76 = arith.constant 0 : i32
          %parallel_loop3A_77 = vector.broadcast %parallel_loop3A_76 : i32 to vector<16xi32>
          %parallel_loop3A_78 = arith.addi %parallel_loop3A_69, %parallel_loop3A_77 : vector<16xi32>
          tpu.vector_store_idx %arg7[%parallel_loop3A_78], %parallel_loop3A_75 : memref<16384xf32, #tpu.memory_space<vmem>>[vector<16xi32>], vector<16xf32>,
          %parallel_loop3A_79 = arith.constant 16 : i32
          %parallel_loop3A_80 = arith.muli %parallel_loop3A_62, %parallel_loop3A_79 : i32
          %parallel_loop3A_81 = arith.constant 1 : i32
          %parallel_loop3A_82 = arith.index_cast %parallel_loop3A_81 : i32 to index
          %parallel_loop3A_83 = arith.index_cast %parallel_loop3A_80 : i32 to index
          %parallel_loop3A_84 = tpu.vector_load %arg5[%parallel_loop3A_82, %parallel_loop3A_83] {strides = array<i32>} : memref<16x1024xf32, #tpu.memory_space<vmem>>, vector<16xf32>,
          %parallel_loop3A_85 = arith.constant 1 : i32
          %parallel_loop3A_86 = vector.broadcast %parallel_loop3A_85 : i32 to vector<16xi32>
          %parallel_loop3A_87 = arith.addi %parallel_loop3A_69, %parallel_loop3A_86 : vector<16xi32>
          tpu.vector_store_idx %arg7[%parallel_loop3A_87], %parallel_loop3A_84 : memref<16384xf32, #tpu.memory_space<vmem>>[vector<16xi32>], vector<16xf32>,
          %parallel_loop3A_88 = arith.constant 16 : i32
          %parallel_loop3A_89 = arith.muli %parallel_loop3A_62, %parallel_loop3A_88 : i32
          %parallel_loop3A_90 = arith.constant 2 : i32
          %parallel_loop3A_91 = arith.index_cast %parallel_loop3A_90 : i32 to index
          %parallel_loop3A_92 = arith.index_cast %parallel_loop3A_89 : i32 to index
          %parallel_loop3A_93 = tpu.vector_load %arg5[%parallel_loop3A_91, %parallel_loop3A_92] {strides = array<i32>} : memref<16x1024xf32, #tpu.memory_space<vmem>>, vector<16xf32>,
          %parallel_loop3A_94 = arith.constant 2 : i32
          %parallel_loop3A_95 = vector.broadcast %parallel_loop3A_94 : i32 to vector<16xi32>
          %parallel_loop3A_96 = arith.addi %parallel_loop3A_69, %parallel_loop3A_95 : vector<16xi32>
          tpu.vector_store_idx %arg7[%parallel_loop3A_96], %parallel_loop3A_93 : memref<16384xf32, #tpu.memory_space<vmem>>[vector<16xi32>], vector<16xf32>,
          %parallel_loop3A_97 = arith.constant 16 : i32
          %parallel_loop3A_98 = arith.muli %parallel_loop3A_62, %parallel_loop3A_97 : i32
          %parallel_loop3A_99 = arith.constant 3 : i32
          %parallel_loop3A_100 = arith.index_cast %parallel_loop3A_99 : i32 to index
          %parallel_loop3A_101 = arith.index_cast %parallel_loop3A_98 : i32 to index
          %parallel_loop3A_102 = tpu.vector_load %arg5[%parallel_loop3A_100, %parallel_loop3A_101] {strides = array<i32>} : memref<16x1024xf32, #tpu.memory_space<vmem>>, vector<16xf32>,
          %parallel_loop3A_103 = arith.constant 3 : i32
          %parallel_loop3A_104 = vector.broadcast %parallel_loop3A_103 : i32 to vector<16xi32>
          %parallel_loop3A_105 = arith.addi %parallel_loop3A_69, %parallel_loop3A_104 : vector<16xi32>
          tpu.vector_store_idx %arg7[%parallel_loop3A_105], %parallel_loop3A_102 : memref<16384xf32, #tpu.memory_space<vmem>>[vector<16xi32>], vector<16xf32>,
          %parallel_loop3A_106 = arith.constant 16 : i32
          %parallel_loop3A_107 = arith.muli %parallel_loop3A_62, %parallel_loop3A_106 : i32
          %parallel_loop3A_108 = arith.constant 4 : i32
          %parallel_loop3A_109 = arith.index_cast %parallel_loop3A_108 : i32 to index
          %parallel_loop3A_110 = arith.index_cast %parallel_loop3A_107 : i32 to index
          %parallel_loop3A_111 = tpu.vector_load %arg5[%parallel_loop3A_109, %parallel_loop3A_110] {strides = array<i32>} : memref<16x1024xf32, #tpu.memory_space<vmem>>, vector<16xf32>,
          %parallel_loop3A_112 = arith.constant 4 : i32
          %parallel_loop3A_113 = vector.broadcast %parallel_loop3A_112 : i32 to vector<16xi32>
          %parallel_loop3A_114 = arith.addi %parallel_loop3A_69, %parallel_loop3A_113 : vector<16xi32>
          tpu.vector_store_idx %arg7[%parallel_loop3A_114], %parallel_loop3A_111 : memref<16384xf32, #tpu.memory_space<vmem>>[vector<16xi32>], vector<16xf32>,
          %parallel_loop3A_115 = arith.constant 16 : i32
          %parallel_loop3A_116 = arith.muli %parallel_loop3A_62, %parallel_loop3A_115 : i32
          %parallel_loop3A_117 = arith.constant 5 : i32
          %parallel_loop3A_118 = arith.index_cast %parallel_loop3A_117 : i32 to index
          %parallel_loop3A_119 = arith.index_cast %parallel_loop3A_116 : i32 to index
          %parallel_loop3A_120 = tpu.vector_load %arg5[%parallel_loop3A_118, %parallel_loop3A_119] {strides = array<i32>} : memref<16x1024xf32, #tpu.memory_space<vmem>>, vector<16xf32>,
          %parallel_loop3A_121 = arith.constant 5 : i32
          %parallel_loop3A_122 = vector.broadcast %parallel_loop3A_121 : i32 to vector<16xi32>
          %parallel_loop3A_123 = arith.addi %parallel_loop3A_69, %parallel_loop3A_122 : vector<16xi32>
          tpu.vector_store_idx %arg7[%parallel_loop3A_123], %parallel_loop3A_120 : memref<16384xf32, #tpu.memory_space<vmem>>[vector<16xi32>], vector<16xf32>,
          %parallel_loop3A_124 = arith.constant 16 : i32
          %parallel_loop3A_125 = arith.muli %parallel_loop3A_62, %parallel_loop3A_124 : i32
          %parallel_loop3A_126 = arith.constant 6 : i32
          %parallel_loop3A_127 = arith.index_cast %parallel_loop3A_126 : i32 to index
          %parallel_loop3A_128 = arith.index_cast %parallel_loop3A_125 : i32 to index
          %parallel_loop3A_129 = tpu.vector_load %arg5[%parallel_loop3A_127, %parallel_loop3A_128] {strides = array<i32>} : memref<16x1024xf32, #tpu.memory_space<vmem>>, vector<16xf32>,
          %parallel_loop3A_130 = arith.constant 6 : i32
          %parallel_loop3A_131 = vector.broadcast %parallel_loop3A_130 : i32 to vector<16xi32>
          %parallel_loop3A_132 = arith.addi %parallel_loop3A_69, %parallel_loop3A_131 : vector<16xi32>
          tpu.vector_store_idx %arg7[%parallel_loop3A_132], %parallel_loop3A_129 : memref<16384xf32, #tpu.memory_space<vmem>>[vector<16xi32>], vector<16xf32>,
          %parallel_loop3A_133 = arith.constant 16 : i32
          %parallel_loop3A_134 = arith.muli %parallel_loop3A_62, %parallel_loop3A_133 : i32
          %parallel_loop3A_135 = arith.constant 7 : i32
          %parallel_loop3A_136 = arith.index_cast %parallel_loop3A_135 : i32 to index
          %parallel_loop3A_137 = arith.index_cast %parallel_loop3A_134 : i32 to index
          %parallel_loop3A_138 = tpu.vector_load %arg5[%parallel_loop3A_136, %parallel_loop3A_137] {strides = array<i32>} : memref<16x1024xf32, #tpu.memory_space<vmem>>, vector<16xf32>,
          %parallel_loop3A_139 = arith.constant 7 : i32
          %parallel_loop3A_140 = vector.broadcast %parallel_loop3A_139 : i32 to vector<16xi32>
          %parallel_loop3A_141 = arith.addi %parallel_loop3A_69, %parallel_loop3A_140 : vector<16xi32>
          tpu.vector_store_idx %arg7[%parallel_loop3A_141], %parallel_loop3A_138 : memref<16384xf32, #tpu.memory_space<vmem>>[vector<16xi32>], vector<16xf32>,
          %parallel_loop3A_142 = arith.constant 16 : i32
          %parallel_loop3A_143 = arith.muli %parallel_loop3A_62, %parallel_loop3A_142 : i32
          %parallel_loop3A_144 = arith.constant 8 : i32
          %parallel_loop3A_145 = arith.index_cast %parallel_loop3A_144 : i32 to index
          %parallel_loop3A_146 = arith.index_cast %parallel_loop3A_143 : i32 to index
          %parallel_loop3A_147 = tpu.vector_load %arg5[%parallel_loop3A_145, %parallel_loop3A_146] {strides = array<i32>} : memref<16x1024xf32, #tpu.memory_space<vmem>>, vector<16xf32>,
          %parallel_loop3A_148 = arith.constant 8 : i32
          %parallel_loop3A_149 = vector.broadcast %parallel_loop3A_148 : i32 to vector<16xi32>
          %parallel_loop3A_150 = arith.addi %parallel_loop3A_69, %parallel_loop3A_149 : vector<16xi32>
          tpu.vector_store_idx %arg7[%parallel_loop3A_150], %parallel_loop3A_147 : memref<16384xf32, #tpu.memory_space<vmem>>[vector<16xi32>], vector<16xf32>,
          %parallel_loop3A_151 = arith.constant 16 : i32
          %parallel_loop3A_152 = arith.muli %parallel_loop3A_62, %parallel_loop3A_151 : i32
          %parallel_loop3A_153 = arith.constant 9 : i32
          %parallel_loop3A_154 = arith.index_cast %parallel_loop3A_153 : i32 to index
          %parallel_loop3A_155 = arith.index_cast %parallel_loop3A_152 : i32 to index
          %parallel_loop3A_156 = tpu.vector_load %arg5[%parallel_loop3A_154, %parallel_loop3A_155] {strides = array<i32>} : memref<16x1024xf32, #tpu.memory_space<vmem>>, vector<16xf32>,
          %parallel_loop3A_157 = arith.constant 9 : i32
          %parallel_loop3A_158 = vector.broadcast %parallel_loop3A_157 : i32 to vector<16xi32>
          %parallel_loop3A_159 = arith.addi %parallel_loop3A_69, %parallel_loop3A_158 : vector<16xi32>
          tpu.vector_store_idx %arg7[%parallel_loop3A_159], %parallel_loop3A_156 : memref<16384xf32, #tpu.memory_space<vmem>>[vector<16xi32>], vector<16xf32>,
          %parallel_loop3A_160 = arith.constant 16 : i32
          %parallel_loop3A_161 = arith.muli %parallel_loop3A_62, %parallel_loop3A_160 : i32
          %parallel_loop3A_162 = arith.constant 10 : i32
          %parallel_loop3A_163 = arith.index_cast %parallel_loop3A_162 : i32 to index
          %parallel_loop3A_164 = arith.index_cast %parallel_loop3A_161 : i32 to index
          %parallel_loop3A_165 = tpu.vector_load %arg5[%parallel_loop3A_163, %parallel_loop3A_164] {strides = array<i32>} : memref<16x1024xf32, #tpu.memory_space<vmem>>, vector<16xf32>,
          %parallel_loop3A_166 = arith.constant 10 : i32
          %parallel_loop3A_167 = vector.broadcast %parallel_loop3A_166 : i32 to vector<16xi32>
          %parallel_loop3A_168 = arith.addi %parallel_loop3A_69, %parallel_loop3A_167 : vector<16xi32>
          tpu.vector_store_idx %arg7[%parallel_loop3A_168], %parallel_loop3A_165 : memref<16384xf32, #tpu.memory_space<vmem>>[vector<16xi32>], vector<16xf32>,
          %parallel_loop3A_169 = arith.constant 16 : i32
          %parallel_loop3A_170 = arith.muli %parallel_loop3A_62, %parallel_loop3A_169 : i32
          %parallel_loop3A_171 = arith.constant 11 : i32
          %parallel_loop3A_172 = arith.index_cast %parallel_loop3A_171 : i32 to index
          %parallel_loop3A_173 = arith.index_cast %parallel_loop3A_170 : i32 to index
          %parallel_loop3A_174 = tpu.vector_load %arg5[%parallel_loop3A_172, %parallel_loop3A_173] {strides = array<i32>} : memref<16x1024xf32, #tpu.memory_space<vmem>>, vector<16xf32>,
          %parallel_loop3A_175 = arith.constant 11 : i32
          %parallel_loop3A_176 = vector.broadcast %parallel_loop3A_175 : i32 to vector<16xi32>
          %parallel_loop3A_177 = arith.addi %parallel_loop3A_69, %parallel_loop3A_176 : vector<16xi32>
          tpu.vector_store_idx %arg7[%parallel_loop3A_177], %parallel_loop3A_174 : memref<16384xf32, #tpu.memory_space<vmem>>[vector<16xi32>], vector<16xf32>,
          %parallel_loop3A_178 = arith.constant 16 : i32
          %parallel_loop3A_179 = arith.muli %parallel_loop3A_62, %parallel_loop3A_178 : i32
          %parallel_loop3A_180 = arith.constant 12 : i32
          %parallel_loop3A_181 = arith.index_cast %parallel_loop3A_180 : i32 to index
          %parallel_loop3A_182 = arith.index_cast %parallel_loop3A_179 : i32 to index
          %parallel_loop3A_183 = tpu.vector_load %arg5[%parallel_loop3A_181, %parallel_loop3A_182] {strides = array<i32>} : memref<16x1024xf32, #tpu.memory_space<vmem>>, vector<16xf32>,
          %parallel_loop3A_184 = arith.constant 12 : i32
          %parallel_loop3A_185 = vector.broadcast %parallel_loop3A_184 : i32 to vector<16xi32>
          %parallel_loop3A_186 = arith.addi %parallel_loop3A_69, %parallel_loop3A_185 : vector<16xi32>
          tpu.vector_store_idx %arg7[%parallel_loop3A_186], %parallel_loop3A_183 : memref<16384xf32, #tpu.memory_space<vmem>>[vector<16xi32>], vector<16xf32>,
          %parallel_loop3A_187 = arith.constant 16 : i32
          %parallel_loop3A_188 = arith.muli %parallel_loop3A_62, %parallel_loop3A_187 : i32
          %parallel_loop3A_189 = arith.constant 13 : i32
          %parallel_loop3A_190 = arith.index_cast %parallel_loop3A_189 : i32 to index
          %parallel_loop3A_191 = arith.index_cast %parallel_loop3A_188 : i32 to index
          %parallel_loop3A_192 = tpu.vector_load %arg5[%parallel_loop3A_190, %parallel_loop3A_191] {strides = array<i32>} : memref<16x1024xf32, #tpu.memory_space<vmem>>, vector<16xf32>,
          %parallel_loop3A_193 = arith.constant 13 : i32
          %parallel_loop3A_194 = vector.broadcast %parallel_loop3A_193 : i32 to vector<16xi32>
          %parallel_loop3A_195 = arith.addi %parallel_loop3A_69, %parallel_loop3A_194 : vector<16xi32>
          tpu.vector_store_idx %arg7[%parallel_loop3A_195], %parallel_loop3A_192 : memref<16384xf32, #tpu.memory_space<vmem>>[vector<16xi32>], vector<16xf32>,
          %parallel_loop3A_196 = arith.constant 16 : i32
          %parallel_loop3A_197 = arith.muli %parallel_loop3A_62, %parallel_loop3A_196 : i32
          %parallel_loop3A_198 = arith.constant 14 : i32
          %parallel_loop3A_199 = arith.index_cast %parallel_loop3A_198 : i32 to index
          %parallel_loop3A_200 = arith.index_cast %parallel_loop3A_197 : i32 to index
          %parallel_loop3A_201 = tpu.vector_load %arg5[%parallel_loop3A_199, %parallel_loop3A_200] {strides = array<i32>} : memref<16x1024xf32, #tpu.memory_space<vmem>>, vector<16xf32>,
          %parallel_loop3A_202 = arith.constant 14 : i32
          %parallel_loop3A_203 = vector.broadcast %parallel_loop3A_202 : i32 to vector<16xi32>
          %parallel_loop3A_204 = arith.addi %parallel_loop3A_69, %parallel_loop3A_203 : vector<16xi32>
          tpu.vector_store_idx %arg7[%parallel_loop3A_204], %parallel_loop3A_201 : memref<16384xf32, #tpu.memory_space<vmem>>[vector<16xi32>], vector<16xf32>,
          %parallel_loop3A_205 = arith.constant 16 : i32
          %parallel_loop3A_206 = arith.muli %parallel_loop3A_62, %parallel_loop3A_205 : i32
          %parallel_loop3A_207 = arith.constant 15 : i32
          %parallel_loop3A_208 = arith.index_cast %parallel_loop3A_207 : i32 to index
          %parallel_loop3A_209 = arith.index_cast %parallel_loop3A_206 : i32 to index
          %parallel_loop3A_210 = tpu.vector_load %arg5[%parallel_loop3A_208, %parallel_loop3A_209] {strides = array<i32>} : memref<16x1024xf32, #tpu.memory_space<vmem>>, vector<16xf32>,
          %parallel_loop3A_211 = arith.constant 15 : i32
          %parallel_loop3A_212 = vector.broadcast %parallel_loop3A_211 : i32 to vector<16xi32>
          %parallel_loop3A_213 = arith.addi %parallel_loop3A_69, %parallel_loop3A_212 : vector<16xi32>
          tpu.vector_store_idx %arg7[%parallel_loop3A_213], %parallel_loop3A_210 : memref<16384xf32, #tpu.memory_space<vmem>>[vector<16xi32>], vector<16xf32>,
        } {sc.loop_unroll_factor = 2 : i64, sc.parallel_access}
        %mul3A_57 = arith.constant 1024 : i32
        %mul3A_58 = arith.muli %add3A_29, %mul3A_57 : i32
        %mul3A_59 = arith.constant 16 : i32
        %mul3A_60 = arith.muli %mul3A_58, %mul3A_59 : i32
        %dma_start3A = tpu.memref_slice %arg4[%mul3A_60] : memref<41600000xf32, #tpu.memory_space<hbm>> -> memref<16384xf32, #tpu.memory_space<hbm>>
        %dma_start3A_61 = tpu.memref_slice %arg4[%mul3A_60] : memref<41600000xf32, #tpu.memory_space<hbm>> -> memref<16384xf32, #tpu.memory_space<hbm>>
        tpu.enqueue_dma source(%arg7 : memref<16384xf32, #tpu.memory_space<vmem>>) target(%dma_start3A_61 : memref<16384xf32, #tpu.memory_space<hbm>>) target_semaphore(%arg11 : memref<!tpu.dma_semaphore, #tpu.memory_space<semaphore_mem>>)
      } else {
      }
      %add3A_34 = arith.constant 1 : i32
      %add3A_35 = arith.addi %add3A_29, %add3A_34 : i32
      %lt3A_36 = arith.cmpi slt, %add3A_35, %min3A_5 : i32
      %convert_element_type3A_37 = arith.extui %lt3A_36 : i1 to i32
      %cond3A_38 = arith.constant 0 : i32
      %cond3A_39 = arith.cmpi ne, %convert_element_type3A_37, %cond3A_38 : i32
      scf.if %cond3A_39 {
        %add3A_40 = arith.constant 2 : i32
        %add3A_41 = arith.addi %add3A_29, %add3A_40 : i32
        %lt3A_42 = arith.cmpi slt, %add3A_41, %min3A_5 : i32
        %convert_element_type3A_43 = arith.extui %lt3A_42 : i1 to i32
        %cond3A_44 = arith.constant 0 : i32
        %cond3A_45 = arith.cmpi ne, %convert_element_type3A_43, %cond3A_44 : i32
        scf.if %cond3A_45 {
          %add3A_64 = arith.constant 2 : i32
          %add3A_65 = arith.addi %add3A_29, %add3A_64 : i32
          %mul3A_66 = arith.constant 1024 : i32
          %mul3A_67 = arith.muli %add3A_65, %mul3A_66 : i32
          %dma_start3A_68 = arith.constant 0 : i32
          %dma_start3A_69 = tpu.memref_slice %arg2[%dma_start3A_68, %mul3A_67] : memref<16x2600000xf32, #tpu.memory_space<hbm>> -> memref<16x1024xf32, #tpu.memory_space<hbm>>
          %dma_start3A_70 = arith.constant 0 : i32
          %dma_start3A_71 = tpu.memref_slice %arg2[%dma_start3A_70, %mul3A_67] : memref<16x2600000xf32, #tpu.memory_space<hbm>> -> memref<16x1024xf32, #tpu.memory_space<hbm>>
          tpu.enqueue_dma source(%dma_start3A_71 : memref<16x1024xf32, #tpu.memory_space<hbm>>) target(%arg5 : memref<16x1024xf32, #tpu.memory_space<vmem>>) target_semaphore(%arg9 : memref<!tpu.dma_semaphore, #tpu.memory_space<semaphore_mem>>)
        } else {
        }
        %dma_wait3A = arith.constant 0 : i32
        %dma_wait3A_46 = arith.constant 0 : i32
        %dma_wait3A_47 = tpu.memref_slice %arg2[%dma_wait3A, %dma_wait3A_46] : memref<16x2600000xf32, #tpu.memory_space<hbm>> -> memref<16x1024xf32, #tpu.memory_space<hbm>>
        %dma_wait3A_48 = arith.constant 0 : i32
        %dma_wait3A_49 = arith.constant 0 : i32
        %dma_wait3A_50 = tpu.memref_slice %arg2[%dma_wait3A_48, %dma_wait3A_49] : memref<16x2600000xf32, #tpu.memory_space<hbm>> -> memref<16x1024xf32, #tpu.memory_space<hbm>>
        tpu.wait_dma2 semaphore(%arg10 : memref<!tpu.dma_semaphore, #tpu.memory_space<semaphore_mem>>) src(%dma_wait3A_50 : memref<16x1024xf32, #tpu.memory_space<hbm>>) dst(%arg6 : memref<16x1024xf32, #tpu.memory_space<vmem>>)
        %gt3A = arith.constant 0 : i32
        %gt3A_51 = arith.cmpi sgt, %scan3A_26, %gt3A : i32
        %convert_element_type3A_52 = arith.extui %gt3A_51 : i1 to i32
        %cond3A_53 = arith.constant 0 : i32
        %cond3A_54 = arith.cmpi ne, %convert_element_type3A_52, %cond3A_53 : i32
        scf.if %cond3A_54 {
          %dma_wait3A_64 = arith.constant 0 : i32
          %dma_wait3A_65 = tpu.memref_slice %arg4[%dma_wait3A_64] : memref<41600000xf32, #tpu.memory_space<hbm>> -> memref<16384xf32, #tpu.memory_space<hbm>>
          %dma_wait3A_66 = arith.constant 0 : i32
          %dma_wait3A_67 = tpu.memref_slice %arg4[%dma_wait3A_66] : memref<41600000xf32, #tpu.memory_space<hbm>> -> memref<16384xf32, #tpu.memory_space<hbm>>
          tpu.wait_dma2 semaphore(%arg12 : memref<!tpu.dma_semaphore, #tpu.memory_space<semaphore_mem>>) src(%arg8 : memref<16384xf32, #tpu.memory_space<vmem>>) dst(%dma_wait3A_67 : memref<16384xf32, #tpu.memory_space<hbm>>)
        } else {
        }
        %parallel_loop3A = arith.constant 0 : i32
        %parallel_loop3A_55 = arith.constant 64 : i32
        %parallel_loop3A_56 = arith.constant 1 : i32
        scf.for %parallel_loop3A_64 = %parallel_loop3A to %parallel_loop3A_55 step %parallel_loop3A_56  : i32 {
          %parallel_loop3A_65 = arith.constant 16 : i32
          %parallel_loop3A_66 = vector.broadcast %parallel_loop3A_65 : i32 to vector<16xi32>
          %parallel_loop3A_67 = arith.muli %iota3A, %parallel_loop3A_66 : vector<16xi32>
          %parallel_loop3A_68 = arith.constant 256 : i32
          %parallel_loop3A_69 = arith.muli %parallel_loop3A_64, %parallel_loop3A_68 : i32
          %parallel_loop3A_70 = vector.broadcast %parallel_loop3A_69 : i32 to vector<16xi32>
          %parallel_loop3A_71 = arith.addi %parallel_loop3A_67, %parallel_loop3A_70 : vector<16xi32>
          %parallel_loop3A_72 = arith.constant 16 : i32
          %parallel_loop3A_73 = arith.muli %parallel_loop3A_64, %parallel_loop3A_72 : i32
          %parallel_loop3A_74 = arith.constant 0 : i32
          %parallel_loop3A_75 = arith.index_cast %parallel_loop3A_74 : i32 to index
          %parallel_loop3A_76 = arith.index_cast %parallel_loop3A_73 : i32 to index
          %parallel_loop3A_77 = tpu.vector_load %arg6[%parallel_loop3A_75, %parallel_loop3A_76] {strides = array<i32>} : memref<16x1024xf32, #tpu.memory_space<vmem>>, vector<16xf32>,
          %parallel_loop3A_78 = arith.constant 0 : i32
          %parallel_loop3A_79 = vector.broadcast %parallel_loop3A_78 : i32 to vector<16xi32>
          %parallel_loop3A_80 = arith.addi %parallel_loop3A_71, %parallel_loop3A_79 : vector<16xi32>
          tpu.vector_store_idx %arg8[%parallel_loop3A_80], %parallel_loop3A_77 : memref<16384xf32, #tpu.memory_space<vmem>>[vector<16xi32>], vector<16xf32>,
          %parallel_loop3A_81 = arith.constant 16 : i32
          %parallel_loop3A_82 = arith.muli %parallel_loop3A_64, %parallel_loop3A_81 : i32
          %parallel_loop3A_83 = arith.constant 1 : i32
          %parallel_loop3A_84 = arith.index_cast %parallel_loop3A_83 : i32 to index
          %parallel_loop3A_85 = arith.index_cast %parallel_loop3A_82 : i32 to index
          %parallel_loop3A_86 = tpu.vector_load %arg6[%parallel_loop3A_84, %parallel_loop3A_85] {strides = array<i32>} : memref<16x1024xf32, #tpu.memory_space<vmem>>, vector<16xf32>,
          %parallel_loop3A_87 = arith.constant 1 : i32
          %parallel_loop3A_88 = vector.broadcast %parallel_loop3A_87 : i32 to vector<16xi32>
          %parallel_loop3A_89 = arith.addi %parallel_loop3A_71, %parallel_loop3A_88 : vector<16xi32>
          tpu.vector_store_idx %arg8[%parallel_loop3A_89], %parallel_loop3A_86 : memref<16384xf32, #tpu.memory_space<vmem>>[vector<16xi32>], vector<16xf32>,
          %parallel_loop3A_90 = arith.constant 16 : i32
          %parallel_loop3A_91 = arith.muli %parallel_loop3A_64, %parallel_loop3A_90 : i32
          %parallel_loop3A_92 = arith.constant 2 : i32
          %parallel_loop3A_93 = arith.index_cast %parallel_loop3A_92 : i32 to index
          %parallel_loop3A_94 = arith.index_cast %parallel_loop3A_91 : i32 to index
          %parallel_loop3A_95 = tpu.vector_load %arg6[%parallel_loop3A_93, %parallel_loop3A_94] {strides = array<i32>} : memref<16x1024xf32, #tpu.memory_space<vmem>>, vector<16xf32>,
          %parallel_loop3A_96 = arith.constant 2 : i32
          %parallel_loop3A_97 = vector.broadcast %parallel_loop3A_96 : i32 to vector<16xi32>
          %parallel_loop3A_98 = arith.addi %parallel_loop3A_71, %parallel_loop3A_97 : vector<16xi32>
          tpu.vector_store_idx %arg8[%parallel_loop3A_98], %parallel_loop3A_95 : memref<16384xf32, #tpu.memory_space<vmem>>[vector<16xi32>], vector<16xf32>,
          %parallel_loop3A_99 = arith.constant 16 : i32
          %parallel_loop3A_100 = arith.muli %parallel_loop3A_64, %parallel_loop3A_99 : i32
          %parallel_loop3A_101 = arith.constant 3 : i32
          %parallel_loop3A_102 = arith.index_cast %parallel_loop3A_101 : i32 to index
          %parallel_loop3A_103 = arith.index_cast %parallel_loop3A_100 : i32 to index
          %parallel_loop3A_104 = tpu.vector_load %arg6[%parallel_loop3A_102, %parallel_loop3A_103] {strides = array<i32>} : memref<16x1024xf32, #tpu.memory_space<vmem>>, vector<16xf32>,
          %parallel_loop3A_105 = arith.constant 3 : i32
          %parallel_loop3A_106 = vector.broadcast %parallel_loop3A_105 : i32 to vector<16xi32>
          %parallel_loop3A_107 = arith.addi %parallel_loop3A_71, %parallel_loop3A_106 : vector<16xi32>
          tpu.vector_store_idx %arg8[%parallel_loop3A_107], %parallel_loop3A_104 : memref<16384xf32, #tpu.memory_space<vmem>>[vector<16xi32>], vector<16xf32>,
          %parallel_loop3A_108 = arith.constant 16 : i32
          %parallel_loop3A_109 = arith.muli %parallel_loop3A_64, %parallel_loop3A_108 : i32
          %parallel_loop3A_110 = arith.constant 4 : i32
          %parallel_loop3A_111 = arith.index_cast %parallel_loop3A_110 : i32 to index
          %parallel_loop3A_112 = arith.index_cast %parallel_loop3A_109 : i32 to index
          %parallel_loop3A_113 = tpu.vector_load %arg6[%parallel_loop3A_111, %parallel_loop3A_112] {strides = array<i32>} : memref<16x1024xf32, #tpu.memory_space<vmem>>, vector<16xf32>,
          %parallel_loop3A_114 = arith.constant 4 : i32
          %parallel_loop3A_115 = vector.broadcast %parallel_loop3A_114 : i32 to vector<16xi32>
          %parallel_loop3A_116 = arith.addi %parallel_loop3A_71, %parallel_loop3A_115 : vector<16xi32>
          tpu.vector_store_idx %arg8[%parallel_loop3A_116], %parallel_loop3A_113 : memref<16384xf32, #tpu.memory_space<vmem>>[vector<16xi32>], vector<16xf32>,
          %parallel_loop3A_117 = arith.constant 16 : i32
          %parallel_loop3A_118 = arith.muli %parallel_loop3A_64, %parallel_loop3A_117 : i32
          %parallel_loop3A_119 = arith.constant 5 : i32
          %parallel_loop3A_120 = arith.index_cast %parallel_loop3A_119 : i32 to index
          %parallel_loop3A_121 = arith.index_cast %parallel_loop3A_118 : i32 to index
          %parallel_loop3A_122 = tpu.vector_load %arg6[%parallel_loop3A_120, %parallel_loop3A_121] {strides = array<i32>} : memref<16x1024xf32, #tpu.memory_space<vmem>>, vector<16xf32>,
          %parallel_loop3A_123 = arith.constant 5 : i32
          %parallel_loop3A_124 = vector.broadcast %parallel_loop3A_123 : i32 to vector<16xi32>
          %parallel_loop3A_125 = arith.addi %parallel_loop3A_71, %parallel_loop3A_124 : vector<16xi32>
          tpu.vector_store_idx %arg8[%parallel_loop3A_125], %parallel_loop3A_122 : memref<16384xf32, #tpu.memory_space<vmem>>[vector<16xi32>], vector<16xf32>,
          %parallel_loop3A_126 = arith.constant 16 : i32
          %parallel_loop3A_127 = arith.muli %parallel_loop3A_64, %parallel_loop3A_126 : i32
          %parallel_loop3A_128 = arith.constant 6 : i32
          %parallel_loop3A_129 = arith.index_cast %parallel_loop3A_128 : i32 to index
          %parallel_loop3A_130 = arith.index_cast %parallel_loop3A_127 : i32 to index
          %parallel_loop3A_131 = tpu.vector_load %arg6[%parallel_loop3A_129, %parallel_loop3A_130] {strides = array<i32>} : memref<16x1024xf32, #tpu.memory_space<vmem>>, vector<16xf32>,
          %parallel_loop3A_132 = arith.constant 6 : i32
          %parallel_loop3A_133 = vector.broadcast %parallel_loop3A_132 : i32 to vector<16xi32>
          %parallel_loop3A_134 = arith.addi %parallel_loop3A_71, %parallel_loop3A_133 : vector<16xi32>
          tpu.vector_store_idx %arg8[%parallel_loop3A_134], %parallel_loop3A_131 : memref<16384xf32, #tpu.memory_space<vmem>>[vector<16xi32>], vector<16xf32>,
          %parallel_loop3A_135 = arith.constant 16 : i32
          %parallel_loop3A_136 = arith.muli %parallel_loop3A_64, %parallel_loop3A_135 : i32
          %parallel_loop3A_137 = arith.constant 7 : i32
          %parallel_loop3A_138 = arith.index_cast %parallel_loop3A_137 : i32 to index
          %parallel_loop3A_139 = arith.index_cast %parallel_loop3A_136 : i32 to index
          %parallel_loop3A_140 = tpu.vector_load %arg6[%parallel_loop3A_138, %parallel_loop3A_139] {strides = array<i32>} : memref<16x1024xf32, #tpu.memory_space<vmem>>, vector<16xf32>,
          %parallel_loop3A_141 = arith.constant 7 : i32
          %parallel_loop3A_142 = vector.broadcast %parallel_loop3A_141 : i32 to vector<16xi32>
          %parallel_loop3A_143 = arith.addi %parallel_loop3A_71, %parallel_loop3A_142 : vector<16xi32>
          tpu.vector_store_idx %arg8[%parallel_loop3A_143], %parallel_loop3A_140 : memref<16384xf32, #tpu.memory_space<vmem>>[vector<16xi32>], vector<16xf32>,
          %parallel_loop3A_144 = arith.constant 16 : i32
          %parallel_loop3A_145 = arith.muli %parallel_loop3A_64, %parallel_loop3A_144 : i32
          %parallel_loop3A_146 = arith.constant 8 : i32
          %parallel_loop3A_147 = arith.index_cast %parallel_loop3A_146 : i32 to index
          %parallel_loop3A_148 = arith.index_cast %parallel_loop3A_145 : i32 to index
          %parallel_loop3A_149 = tpu.vector_load %arg6[%parallel_loop3A_147, %parallel_loop3A_148] {strides = array<i32>} : memref<16x1024xf32, #tpu.memory_space<vmem>>, vector<16xf32>,
          %parallel_loop3A_150 = arith.constant 8 : i32
          %parallel_loop3A_151 = vector.broadcast %parallel_loop3A_150 : i32 to vector<16xi32>
          %parallel_loop3A_152 = arith.addi %parallel_loop3A_71, %parallel_loop3A_151 : vector<16xi32>
          tpu.vector_store_idx %arg8[%parallel_loop3A_152], %parallel_loop3A_149 : memref<16384xf32, #tpu.memory_space<vmem>>[vector<16xi32>], vector<16xf32>,
          %parallel_loop3A_153 = arith.constant 16 : i32
          %parallel_loop3A_154 = arith.muli %parallel_loop3A_64, %parallel_loop3A_153 : i32
          %parallel_loop3A_155 = arith.constant 9 : i32
          %parallel_loop3A_156 = arith.index_cast %parallel_loop3A_155 : i32 to index
          %parallel_loop3A_157 = arith.index_cast %parallel_loop3A_154 : i32 to index
          %parallel_loop3A_158 = tpu.vector_load %arg6[%parallel_loop3A_156, %parallel_loop3A_157] {strides = array<i32>} : memref<16x1024xf32, #tpu.memory_space<vmem>>, vector<16xf32>,
          %parallel_loop3A_159 = arith.constant 9 : i32
          %parallel_loop3A_160 = vector.broadcast %parallel_loop3A_159 : i32 to vector<16xi32>
          %parallel_loop3A_161 = arith.addi %parallel_loop3A_71, %parallel_loop3A_160 : vector<16xi32>
          tpu.vector_store_idx %arg8[%parallel_loop3A_161], %parallel_loop3A_158 : memref<16384xf32, #tpu.memory_space<vmem>>[vector<16xi32>], vector<16xf32>,
          %parallel_loop3A_162 = arith.constant 16 : i32
          %parallel_loop3A_163 = arith.muli %parallel_loop3A_64, %parallel_loop3A_162 : i32
          %parallel_loop3A_164 = arith.constant 10 : i32
          %parallel_loop3A_165 = arith.index_cast %parallel_loop3A_164 : i32 to index
          %parallel_loop3A_166 = arith.index_cast %parallel_loop3A_163 : i32 to index
          %parallel_loop3A_167 = tpu.vector_load %arg6[%parallel_loop3A_165, %parallel_loop3A_166] {strides = array<i32>} : memref<16x1024xf32, #tpu.memory_space<vmem>>, vector<16xf32>,
          %parallel_loop3A_168 = arith.constant 10 : i32
          %parallel_loop3A_169 = vector.broadcast %parallel_loop3A_168 : i32 to vector<16xi32>
          %parallel_loop3A_170 = arith.addi %parallel_loop3A_71, %parallel_loop3A_169 : vector<16xi32>
          tpu.vector_store_idx %arg8[%parallel_loop3A_170], %parallel_loop3A_167 : memref<16384xf32, #tpu.memory_space<vmem>>[vector<16xi32>], vector<16xf32>,
          %parallel_loop3A_171 = arith.constant 16 : i32
          %parallel_loop3A_172 = arith.muli %parallel_loop3A_64, %parallel_loop3A_171 : i32
          %parallel_loop3A_173 = arith.constant 11 : i32
          %parallel_loop3A_174 = arith.index_cast %parallel_loop3A_173 : i32 to index
          %parallel_loop3A_175 = arith.index_cast %parallel_loop3A_172 : i32 to index
          %parallel_loop3A_176 = tpu.vector_load %arg6[%parallel_loop3A_174, %parallel_loop3A_175] {strides = array<i32>} : memref<16x1024xf32, #tpu.memory_space<vmem>>, vector<16xf32>,
          %parallel_loop3A_177 = arith.constant 11 : i32
          %parallel_loop3A_178 = vector.broadcast %parallel_loop3A_177 : i32 to vector<16xi32>
          %parallel_loop3A_179 = arith.addi %parallel_loop3A_71, %parallel_loop3A_178 : vector<16xi32>
          tpu.vector_store_idx %arg8[%parallel_loop3A_179], %parallel_loop3A_176 : memref<16384xf32, #tpu.memory_space<vmem>>[vector<16xi32>], vector<16xf32>,
          %parallel_loop3A_180 = arith.constant 16 : i32
          %parallel_loop3A_181 = arith.muli %parallel_loop3A_64, %parallel_loop3A_180 : i32
          %parallel_loop3A_182 = arith.constant 12 : i32
          %parallel_loop3A_183 = arith.index_cast %parallel_loop3A_182 : i32 to index
          %parallel_loop3A_184 = arith.index_cast %parallel_loop3A_181 : i32 to index
          %parallel_loop3A_185 = tpu.vector_load %arg6[%parallel_loop3A_183, %parallel_loop3A_184] {strides = array<i32>} : memref<16x1024xf32, #tpu.memory_space<vmem>>, vector<16xf32>,
          %parallel_loop3A_186 = arith.constant 12 : i32
          %parallel_loop3A_187 = vector.broadcast %parallel_loop3A_186 : i32 to vector<16xi32>
          %parallel_loop3A_188 = arith.addi %parallel_loop3A_71, %parallel_loop3A_187 : vector<16xi32>
          tpu.vector_store_idx %arg8[%parallel_loop3A_188], %parallel_loop3A_185 : memref<16384xf32, #tpu.memory_space<vmem>>[vector<16xi32>], vector<16xf32>,
          %parallel_loop3A_189 = arith.constant 16 : i32
          %parallel_loop3A_190 = arith.muli %parallel_loop3A_64, %parallel_loop3A_189 : i32
          %parallel_loop3A_191 = arith.constant 13 : i32
          %parallel_loop3A_192 = arith.index_cast %parallel_loop3A_191 : i32 to index
          %parallel_loop3A_193 = arith.index_cast %parallel_loop3A_190 : i32 to index
          %parallel_loop3A_194 = tpu.vector_load %arg6[%parallel_loop3A_192, %parallel_loop3A_193] {strides = array<i32>} : memref<16x1024xf32, #tpu.memory_space<vmem>>, vector<16xf32>,
          %parallel_loop3A_195 = arith.constant 13 : i32
          %parallel_loop3A_196 = vector.broadcast %parallel_loop3A_195 : i32 to vector<16xi32>
          %parallel_loop3A_197 = arith.addi %parallel_loop3A_71, %parallel_loop3A_196 : vector<16xi32>
          tpu.vector_store_idx %arg8[%parallel_loop3A_197], %parallel_loop3A_194 : memref<16384xf32, #tpu.memory_space<vmem>>[vector<16xi32>], vector<16xf32>,
          %parallel_loop3A_198 = arith.constant 16 : i32
          %parallel_loop3A_199 = arith.muli %parallel_loop3A_64, %parallel_loop3A_198 : i32
          %parallel_loop3A_200 = arith.constant 14 : i32
          %parallel_loop3A_201 = arith.index_cast %parallel_loop3A_200 : i32 to index
          %parallel_loop3A_202 = arith.index_cast %parallel_loop3A_199 : i32 to index
          %parallel_loop3A_203 = tpu.vector_load %arg6[%parallel_loop3A_201, %parallel_loop3A_202] {strides = array<i32>} : memref<16x1024xf32, #tpu.memory_space<vmem>>, vector<16xf32>,
          %parallel_loop3A_204 = arith.constant 14 : i32
          %parallel_loop3A_205 = vector.broadcast %parallel_loop3A_204 : i32 to vector<16xi32>
          %parallel_loop3A_206 = arith.addi %parallel_loop3A_71, %parallel_loop3A_205 : vector<16xi32>
          tpu.vector_store_idx %arg8[%parallel_loop3A_206], %parallel_loop3A_203 : memref<16384xf32, #tpu.memory_space<vmem>>[vector<16xi32>], vector<16xf32>,
          %parallel_loop3A_207 = arith.constant 16 : i32
          %parallel_loop3A_208 = arith.muli %parallel_loop3A_64, %parallel_loop3A_207 : i32
          %parallel_loop3A_209 = arith.constant 15 : i32
          %parallel_loop3A_210 = arith.index_cast %parallel_loop3A_209 : i32 to index
          %parallel_loop3A_211 = arith.index_cast %parallel_loop3A_208 : i32 to index
          %parallel_loop3A_212 = tpu.vector_load %arg6[%parallel_loop3A_210, %parallel_loop3A_211] {strides = array<i32>} : memref<16x1024xf32, #tpu.memory_space<vmem>>, vector<16xf32>,
          %parallel_loop3A_213 = arith.constant 15 : i32
          %parallel_loop3A_214 = vector.broadcast %parallel_loop3A_213 : i32 to vector<16xi32>
          %parallel_loop3A_215 = arith.addi %parallel_loop3A_71, %parallel_loop3A_214 : vector<16xi32>
          tpu.vector_store_idx %arg8[%parallel_loop3A_215], %parallel_loop3A_212 : memref<16384xf32, #tpu.memory_space<vmem>>[vector<16xi32>], vector<16xf32>,
        } {sc.loop_unroll_factor = 2 : i64, sc.parallel_access}
        %add3A_57 = arith.constant 1 : i32
        %add3A_58 = arith.addi %add3A_29, %add3A_57 : i32
        %mul3A_59 = arith.constant 1024 : i32
        %mul3A_60 = arith.muli %add3A_58, %mul3A_59 : i32
        %mul3A_61 = arith.constant 16 : i32
        %mul3A_62 = arith.muli %mul3A_60, %mul3A_61 : i32
        %dma_start3A = tpu.memref_slice %arg4[%mul3A_62] : memref<41600000xf32, #tpu.memory_space<hbm>> -> memref<16384xf32, #tpu.memory_space<hbm>>
        %dma_start3A_63 = tpu.memref_slice %arg4[%mul3A_62] : memref<41600000xf32, #tpu.memory_space<hbm>> -> memref<16384xf32, #tpu.memory_space<hbm>>
        tpu.enqueue_dma source(%arg8 : memref<16384xf32, #tpu.memory_space<vmem>>) target(%dma_start3A_63 : memref<16384xf32, #tpu.memory_space<hbm>>) target_semaphore(%arg12 : memref<!tpu.dma_semaphore, #tpu.memory_space<semaphore_mem>>)
      } else {
      }
    }
    %scan3A_11 = arith.constant 40 : i32
    %sub3A = arith.subi %min3A_5, %mul3A_2 : i32
    %max3A = arith.constant 0 : i32
    %max3A_12 = arith.maxsi %sub3A, %max3A : i32
    %ge3A = arith.constant 1 : i32
    %ge3A_13 = arith.cmpi sge, %max3A_12, %ge3A : i32
    %convert_element_type3A_14 = arith.extui %ge3A_13 : i1 to i32
    %cond3A_15 = arith.constant 0 : i32
    %cond3A_16 = arith.cmpi ne, %convert_element_type3A_14, %cond3A_15 : i32
    scf.if %cond3A_16 {
      %dma_wait3A = arith.constant 0 : i32
      %dma_wait3A_26 = tpu.memref_slice %arg4[%dma_wait3A] : memref<41600000xf32, #tpu.memory_space<hbm>> -> memref<16384xf32, #tpu.memory_space<hbm>>
      %dma_wait3A_27 = arith.constant 0 : i32
      %dma_wait3A_28 = tpu.memref_slice %arg4[%dma_wait3A_27] : memref<41600000xf32, #tpu.memory_space<hbm>> -> memref<16384xf32, #tpu.memory_space<hbm>>
      tpu.wait_dma2 semaphore(%arg11 : memref<!tpu.dma_semaphore, #tpu.memory_space<semaphore_mem>>) src(%arg7 : memref<16384xf32, #tpu.memory_space<vmem>>) dst(%dma_wait3A_28 : memref<16384xf32, #tpu.memory_space<hbm>>)
    } else {
    }
    %ge3A_17 = arith.constant 2 : i32
    %ge3A_18 = arith.cmpi sge, %max3A_12, %ge3A_17 : i32
    %convert_element_type3A_19 = arith.extui %ge3A_18 : i1 to i32
    %cond3A_20 = arith.constant 0 : i32
    %cond3A_21 = arith.cmpi ne, %convert_element_type3A_19, %cond3A_20 : i32
    scf.if %cond3A_21 {
      %dma_wait3A = arith.constant 0 : i32
      %dma_wait3A_26 = tpu.memref_slice %arg4[%dma_wait3A] : memref<41600000xf32, #tpu.memory_space<hbm>> -> memref<16384xf32, #tpu.memory_space<hbm>>
      %dma_wait3A_27 = arith.constant 0 : i32
      %dma_wait3A_28 = tpu.memref_slice %arg4[%dma_wait3A_27] : memref<41600000xf32, #tpu.memory_space<hbm>> -> memref<16384xf32, #tpu.memory_space<hbm>>
      tpu.wait_dma2 semaphore(%arg12 : memref<!tpu.dma_semaphore, #tpu.memory_space<semaphore_mem>>) src(%arg8 : memref<16384xf32, #tpu.memory_space<vmem>>) dst(%dma_wait3A_28 : memref<16384xf32, #tpu.memory_space<hbm>>)
    } else {
    }
    %eq3A = arith.constant 31 : i32
    %eq3A_22 = arith.cmpi eq, %add3A, %eq3A : i32
    %convert_element_type3A_23 = arith.extui %eq3A_22 : i1 to i32
    %cond3A_24 = arith.constant 0 : i32
    %cond3A_25 = arith.cmpi ne, %convert_element_type3A_23, %cond3A_24 : i32
    scf.if %cond3A_25 {
      "tpu.region"() ({
        %run_scoped3A = tpu.sem_alloc : memref<!tpu.dma_semaphore, #tpu.memory_space<semaphore_mem>>
        %dma_start3A = arith.constant 0 : i32
        %dma_start3A_26 = tpu.memref_slice %arg7[%dma_start3A] : memref<16384xf32, #tpu.memory_space<vmem>> -> memref<1024xf32, #tpu.memory_space<vmem>>
        %dma_start3A_27 = arith.constant 0 : i32
        %dma_start3A_28 = tpu.memref_slice %arg7[%dma_start3A_27] : memref<16384xf32, #tpu.memory_space<vmem>> -> memref<1024xf32, #tpu.memory_space<vmem>>
        tpu.enqueue_dma source(%arg3 : memref<1024xf32, #tpu.memory_space<hbm>>) target(%dma_start3A_28 : memref<1024xf32, #tpu.memory_space<vmem>>) target_semaphore(%run_scoped3A : memref<!tpu.dma_semaphore, #tpu.memory_space<semaphore_mem>>)
        %dma_wait3A = arith.constant 0 : i32
        %dma_wait3A_29 = tpu.memref_slice %arg7[%dma_wait3A] : memref<16384xf32, #tpu.memory_space<vmem>> -> memref<1024xf32, #tpu.memory_space<vmem>>
        %dma_wait3A_30 = arith.constant 0 : i32
        %dma_wait3A_31 = tpu.memref_slice %arg7[%dma_wait3A_30] : memref<16384xf32, #tpu.memory_space<vmem>> -> memref<1024xf32, #tpu.memory_space<vmem>>
        tpu.wait_dma2 semaphore(%run_scoped3A : memref<!tpu.dma_semaphore, #tpu.memory_space<semaphore_mem>>) src(%arg3 : memref<1024xf32, #tpu.memory_space<hbm>>) dst(%dma_wait3A_31 : memref<1024xf32, #tpu.memory_space<vmem>>)
        tpu.yield
      }) : () -> ()
      "tpu.region"() ({
        %run_scoped3A = tpu.sem_alloc : memref<!tpu.dma_semaphore, #tpu.memory_space<semaphore_mem>>
        %dma_start3A = arith.constant 0 : i32
        %dma_start3A_26 = tpu.memref_slice %arg7[%dma_start3A] : memref<16384xf32, #tpu.memory_space<vmem>> -> memref<1024xf32, #tpu.memory_space<vmem>>
        %dma_start3A_27 = arith.constant 41598976 : i32
        %dma_start3A_28 = tpu.memref_slice %arg4[%dma_start3A_27] : memref<41600000xf32, #tpu.memory_space<hbm>> -> memref<1024xf32, #tpu.memory_space<hbm>>
        %dma_start3A_29 = arith.constant 41598976 : i32
        %dma_start3A_30 = tpu.memref_slice %arg4[%dma_start3A_29] : memref<41600000xf32, #tpu.memory_space<hbm>> -> memref<1024xf32, #tpu.memory_space<hbm>>
        %dma_start3A_31 = arith.constant 0 : i32
        %dma_start3A_32 = tpu.memref_slice %arg7[%dma_start3A_31] : memref<16384xf32, #tpu.memory_space<vmem>> -> memref<1024xf32, #tpu.memory_space<vmem>>
        tpu.enqueue_dma source(%dma_start3A_32 : memref<1024xf32, #tpu.memory_space<vmem>>) target(%dma_start3A_30 : memref<1024xf32, #tpu.memory_space<hbm>>) target_semaphore(%run_scoped3A : memref<!tpu.dma_semaphore, #tpu.memory_space<semaphore_mem>>)
        %dma_wait3A = arith.constant 0 : i32
        %dma_wait3A_33 = tpu.memref_slice %arg7[%dma_wait3A] : memref<16384xf32, #tpu.memory_space<vmem>> -> memref<1024xf32, #tpu.memory_space<vmem>>
        %dma_wait3A_34 = arith.constant 41598976 : i32
        %dma_wait3A_35 = tpu.memref_slice %arg4[%dma_wait3A_34] : memref<41600000xf32, #tpu.memory_space<hbm>> -> memref<1024xf32, #tpu.memory_space<hbm>>
        %dma_wait3A_36 = arith.constant 41598976 : i32
        %dma_wait3A_37 = tpu.memref_slice %arg4[%dma_wait3A_36] : memref<41600000xf32, #tpu.memory_space<hbm>> -> memref<1024xf32, #tpu.memory_space<hbm>>
        %dma_wait3A_38 = arith.constant 0 : i32
        %dma_wait3A_39 = tpu.memref_slice %arg7[%dma_wait3A_38] : memref<16384xf32, #tpu.memory_space<vmem>> -> memref<1024xf32, #tpu.memory_space<vmem>>
        tpu.wait_dma2 semaphore(%run_scoped3A : memref<!tpu.dma_semaphore, #tpu.memory_space<semaphore_mem>>) src(%dma_wait3A_39 : memref<1024xf32, #tpu.memory_space<vmem>>) dst(%dma_wait3A_37 : memref<1024xf32, #tpu.memory_space<hbm>>)
        tpu.yield
      }) : () -> ()
    } else {
    }
    return
  }
}

</mosaic_0001>

<sc_bundles>
// kernel: _relayout.3.cloned.1.call-start
scs
__scs_entry_jumppad:
0x0: {  	(pc) =	sbr.rel $0x88, $3  }
0x1: {  	(tag) =	ssettag $0x0;
	lr =	simm.s32 $0x1  }
0x2: {  	[smem:$0x3F9F] =	sst lr;
	_ =	strace $0xD0000000  }
0x3: {  	_ = 	snop  }
0x4: {  	_ = 	snop  }
0x5: {  	_ = 	snop  }
0x6: {  	_ = 	snop  }
0x7: {  	_ = 	snop  }
__scs_overlays_trampoline_lowered:
0x8: {  	[smem:$0x3FAE] =	sst s0  }
0x9: {  	[smem:$0x3FAF] =	sst s1  }
0xa: {  	[smem:$0x3FB0] =	sst s2  }
0xb: {  	[smem:$0x3FB1] =	sst s3  }
0xc: {  	[smem:$0x3FB2] =	sst s4  }
0xd: {  	[smem:$0x3FB3] =	sst s5  }
0xe: {  	[smem:$0x3FB4] =	sst s6  }
0xf: {  	[smem:$0x3FB5] =	sst s7  }
0x10: {  	[smem:$0x3FB6] =	sst s8  }
0x11: {  	[smem:$0x3FB7] =	sst s9;
	s0 =	simm.s32 @!p0 $0x0  }
0x12: {  	s1 =	sld [smem:$0x3F9D];
	s0 =	simm.s32 @p0 $0x1  }
0x13: {  	[smem:$0x3FB8] =	sst s0;
	s0 =	simm.s32 @!p1 $0x0  }
0x14: {  	s2 =	sld [smem:$0x3F9C];
	s0 =	simm.s32 @p1 $0x1  }
0x15: {  	[smem:$0x3FB9] =	sst s0;
	s0 =	simm.s32 @!p2 $0x0  }
0x16: {  	s3 =	sld [smem:$0x3FDB];
	s0 =	simm.s32 @p2 $0x1  }
0x17: {  	s4 =	simm.s32 $0x1BF5;
	[smem:$0x3FBB] =	sst s0  }
0x18: {  	s0 =	sld [smem:$0x3F9E];
	_ =	swait.ge [sflag:s4], $0x0  }
0x19: {  	s7 =	sld [smem:$0x3F9F]  }
0x1a: {  	s8 =	sadd.s32 $0xFFFFE003, lr  }
0x1b: {  	s9 =	sadd.s32 $0xFFFFFEF7, lr;
	s5 =	simm.s32 $0xFFFFFFFF;
	p2 =	slt.u32 s8, $0xFFFFF086  }
0x1c: {  	p1 =	slt.u32 s9, $0xF7A;
	s5 =	simm.s32 @!p2 $0x0  }
0x1d: {  	s5 =	simm.s32 @p1 $0x1;
	p0 =	seq.s32 s7, s2  }
0x1e: {  	s7 =	smul.u32 @!p0 $0xF7A, s2;
	p2 =	seq.s32 @!p0 s5, $0x0  }
0x1f: {  	s9 =	smul.u32 $0xF7A, s1;
	s8 =	simm.s32 @!p0 $0x1BF5;
	p2 =	por !p2, p0  }
0x20: {  	[sflag:s8] =	ssyncset.s32 @!p0 $0xFFFFF086;
	s6 =	sadd.s32 @!p0 s3, s7;
	s7 =	simm.s32 @!p0 $0x108  }
0x21: {  	s3 =	sadd.s32 s3, s9;
	s6 =	sadd.s32 @!p0 $0x88, s6;
	s7 =	simm.s32 @p2 $0x1082  }
0x22: {  	[simem:s7], [sflag:s8] =	dma.local @!p0 [hbm:s6], $0xF7A  }
0x23: {  	s9 =	sor.u32 $0xD0000000, s2;
	s6 =	simm.s32 $0x108;
	_ =	swait.ge @!p0 [sflag:s8], $0x0  }
0x24: {  	s3 =	sadd.s32 $0x88, s3;
	s6 =	simm.s32 @!p1 $0x1082;
	[sflag:s4] =	ssyncset.s32 $0xFFFFF086  }
0x25: {  	[simem:s6], [sflag:s4] =	dma.local [hbm:s3], $0xF7A  }
0x26: {  	[smem:$0x3F9F] =	sst s1;
	(tag) =	ssettag s2;
	_ =	strace s9  }
0x27: {  	s1 =	sld [smem:$0x3FAF]  }
0x28: {  	s2 =	sld [smem:$0x3FB0]  }
0x29: {  	s4 =	sld [smem:$0x3FB2]  }
0x2a: {  	p0 =	seq.s32 s5, $0x0;
	s5 =	sld [smem:$0x3FB3]  }
0x2b: {  	s6 =	sld [smem:$0x3FB4]  }
0x2c: {  	s7 =	sld [smem:$0x3FB5]  }
0x2d: {  	s3 =	simm.s32 $0x108;
	s8 =	sld [smem:$0x3FB6]  }
0x2e: {  	s3 =	simm.s32 @!p0 $0x1082;
	s9 =	sld [smem:$0x3FB7]  }
0x2f: {  	lr =	sadd.s32 s0, s3;
	s0 =	sld [smem:$0x3FAE]  }
0x30: {  	s3 =	sld [smem:$0x3FB1]  }
0x31: {  	[smem:$0x3FBA] =	sst s10  }
0x32: {  	s10 =	sld [smem:$0x3FB8];
	_ =	sdelay $0x3  }
0x33: {  	p0 =	seq.s32 s10, $0x1;
	s10 =	sld [smem:$0x3FBA];
	_ =	sdelay $0x3  }
0x34: {  	[smem:$0x3FBA] =	sst s10  }
0x35: {  	s10 =	sld [smem:$0x3FB9];
	_ =	sdelay $0x3  }
0x36: {  	p1 =	seq.s32 s10, $0x1;
	s10 =	sld [smem:$0x3FBA];
	_ =	sdelay $0x3  }
0x37: {  	[smem:$0x3FBA] =	sst s10  }
0x38: {  	s10 =	sld [smem:$0x3FBB]  }
0x39: {  	_ = 	snop;
	(pc) =	sbr.ind lr, $3  }
0x3a: {  	_ = 	snop  }
0x3b: {  	_ = 	snop  }
0x3c: {  	p2 =	seq.s32 s10, $0x1;
	s10 =	sld [smem:$0x3FBA]  }
0x3d: {  	_ =	shalt  }
0x3e: {  	_ =	shalt  }
0x3f: {  	_ =	shalt  }
0x40: {  	_ =	shalt  }
0x41: {  	_ =	shalt  }
0x42: {  	_ =	shalt  }
0x43: {  	_ =	shalt  }
0x44: {  	_ =	shalt  }
0x45: {  	_ =	shalt  }
0x46: {  	_ =	shalt  }
0x47: {  	_ =	shalt  }
0x48: {  	_ =	shalt  }
0x49: {  	_ =	shalt  }
0x4a: {  	_ =	shalt  }
0x4b: {  	_ =	shalt  }
0x4c: {  	_ =	shalt  }
0x4d: {  	_ =	shalt  }
0x4e: {  	_ =	shalt  }
0x4f: {  	_ =	shalt  }
0x50: {  	_ =	shalt  }
0x51: {  	_ =	shalt  }
0x52: {  	_ =	shalt  }
0x53: {  	_ =	shalt  }
0x54: {  	_ =	shalt  }
0x55: {  	_ =	shalt  }
0x56: {  	_ =	shalt  }
0x57: {  	_ =	shalt  }
0x58: {  	_ =	shalt  }
0x59: {  	_ =	shalt  }
0x5a: {  	_ =	shalt  }
0x5b: {  	_ =	shalt  }
0x5c: {  	_ =	shalt  }
0x5d: {  	_ =	shalt  }
0x5e: {  	_ =	shalt  }
0x5f: {  	_ =	shalt  }
0x60: {  	_ =	shalt  }
0x61: {  	_ =	shalt  }
0x62: {  	_ =	shalt  }
0x63: {  	_ =	shalt  }
0x64: {  	_ =	shalt  }
0x65: {  	_ =	shalt  }
0x66: {  	_ =	shalt  }
0x67: {  	_ =	shalt  }
0x68: {  	_ =	shalt  }
0x69: {  	_ =	shalt  }
0x6a: {  	_ =	shalt  }
0x6b: {  	_ =	shalt  }
0x6c: {  	_ =	shalt  }
0x6d: {  	_ =	shalt  }
0x6e: {  	_ =	shalt  }
0x6f: {  	_ =	shalt  }
0x70: {  	_ =	shalt  }
0x71: {  	_ =	shalt  }
0x72: {  	_ =	shalt  }
0x73: {  	_ =	shalt  }
0x74: {  	_ =	shalt  }
0x75: {  	_ =	shalt  }
0x76: {  	_ =	shalt  }
0x77: {  	_ =	shalt  }
0x78: {  	_ =	shalt  }
0x79: {  	_ =	shalt  }
0x7a: {  	_ =	shalt  }
0x7b: {  	_ =	shalt  }
0x7c: {  	_ =	shalt  }
0x7d: {  	_ =	shalt  }
0x7e: {  	_ =	shalt  }
0x7f: {  	_ =	shalt  }
0x80: {  	_ =	shalt  }
0x81: {  	_ =	shalt  }
0x82: {  	_ =	shalt  }
0x83: {  	_ =	shalt  }
0x84: {  	_ =	shalt  }
0x85: {  	_ =	shalt  }
0x86: {  	_ =	shalt  }
0x87: {  	_ =	shalt  }
.Lfunc_end0:
.L_simem_size_0:
called_computation_lowered:
.L_overlay_start_0:
0x88: {  	s2 =	sld [smem:$0x3FD9]  }
0x89: {  	s3 =	sld [smem:$0x3FFE];
	_ =	sdelay $0x1  }
0x8a: {  	s1 =	srdreg.scid  }
0x8b: {  	s0 =	sand.u32 $0x1, s1  }
0x8c: {  	s18 =	sshll.u32 s0, $0xA;
	s2 =	sadd.s32 s3, s2  }
0x8d: {  	s2 =	sadd.s32 s2, s18  }
0x8e: {  	[smem:$0x3FC6] =	sst s2  }
0x8f: {  	_ = 	snop  }
0x90: {  	s2 =	sld [smem:$0x3FC9]  }
0x91: {  	s19 =	sld [smem:$0x3FC8]  }
0x92: {  	s4 =	sld [smem:$0x3FD0];
	(tm) =	ssettm $0x1  }
0x93: {  	s5 =	sld [smem:$0x3FFB];
	_ =	sdelay $0x3  }
0x94: {  	_ =	strace s5  }
0x95: {  	s5 =	sld [smem:$0x3FFC];
	_ =	sdelay $0x3  }
0x96: {  	_ =	strace s5  }
0x97: {  	s5 =	sld [smem:$0x3FFD];
	_ =	sdelay $0x3  }
0x98: {  	_ =	strace s5  }
0x99: {  	_ =	strace $0x8FFFFFFF  }
0x9a: {  	s20 =	sld [smem:$0x3FDB];
	_ =	sdelay $0x1  }
0x9b: {  	s6 =	simm.s32 $_scs_section_size  }
0x9c: {  	s7 =	simm.s32 $_size__tile_overlayer_lowered;
	s8 =	simm.s32 $_tile_overlayer_lowered  }
0x9d: {  	s23 =	simm.s32 $0x1BFF;
	s22 =	sshll.u32 s8, $0x1;
	s5 =	sadd.s32 s6, s20  }
0x9e: {  	s9 =	simm.s32 $0x0;
	s21 =	sshll.u32 s7, $0x1;
	s7 =	sadd.s32 s22, s5  }
0x9f: {  	[timem:s9], [sflag:s23] =	dma.local [hbm:s7], s21  }
0xa0: {  	_ =	swait.ge [sflag:s23], s21  }
0xa1: {  	s6 =	ssub.s32 $0x0, s21;
	[sflag:s23] =	ssyncset.done $0x0  }
0xa2: {  	[sflag:s23] =	ssyncadd.s32 s6;
	_ =	sdelay $0x1  }
0xa3: {  	s24 =	simm.s32 $0x1B8B  }
0xa4: {  	_ =	swait.ge [sflag:s24], $0x1  }
0xa5: {  	[sflag:s24] =	ssyncset.done $0x0  }
0xa6: {  	s25 =	simm.s32 $0x1B8E;
	[sflag:s24] =	ssyncadd.s32 $0xFFFFFFFF  }
0xa7: {  	s26 =	simm.s32 $execute0_lowered;
	[smem:$0x3FD2] =	sst s25  }
0xa8: {  	s6 =	sshll.u32 s26, $0x1;
	_ =	strace $0x80000046;
	[dreg:$0x1] =	wrdreg $0xFFFFFFFF  }
0xa9: {  	s28 =	simm.s32 $_size_execute0_lowered;
	s5 =	sadd.s32 s5, s6;
	[dreg:$0x0] =	wrdreg $0x0  }
0xaa: {  	s6 =	sshll.u32 s28, $0x1;
	[dreg:$0x2] =	wrdreg s5  }
0xab: {  	[dreg:$0x3] =	wrdreg s6  }
0xac: {  	[dreg:$0x4] =	wrdreg $0xC0  }
0xad: {  	_ =	task [dreg:s9], $0x5FFFF  }
0xae: {  	[dreg:$0x1] =	wrdreg $0xFFFFFFFF  }
0xaf: {  	[dreg:$0x0] =	wrdreg $0x60  }
0xb0: {  	[dreg:$0x2] =	wrdreg s2  }
0xb1: {  	[dreg:$0x3] =	wrdreg s19  }
0xb2: {  	[dreg:$0x4] =	wrdreg s4  }
0xb3: {  	[dreg:$0x5] =	wrdreg $0x9  }
0xb4: {  	_ =	task.clear_ibuf [dreg:s9], $0x6FFFF;
	_ =	strace $0x90000046  }
0xb5: {  	s29 =	simm.s32 $0x9;
	_ =	strace $0x80000048  }
0xb6: {  	_ =	swait.ge [sflag:s29], $0x1  }
0xb7: {  	[sflag:s29] =	ssyncadd.s32 $0xFFFFFFFF  }
0xb8: {  	_ =	strace $0x90000048  }
0xb9: {  	_ =	sfence  }
0xba: {  	s30 =	sld [smem:$0x0];
	_ =	sdelay $0x2  }
0xbb: {  	s31 =	sshll.u32 s1, $0xD;
	s1 =	sshrl.u32 s1, $0x2  }
0xbc: {  	s3 =	sand.u32 $0x4000, s31;
	s1 =	sadd.s32 s1, s30  }
0xbd: {  	s0 =	sor.u32 s3, s0;
	s1 =	sshll.u32 s1, $0x11  }
0xbe: {  	s0 =	sor.u32 s1, s0  }
0xbf: {  	s0 =	sadd.s32 $0x8F2B, s0  }
0xc0: {  	[sflag:s0] =	ssyncadd.remote.s32 $0x1  }
0xc1: {  	_ =	sfence.sel $0xFFFF  }
0xc2: {  	[dreg:$0x0] =	wrdreg $0xFFFFFFFF;
	(pc) =	sbr.abs _section_cstart, $3  }
0xc3: {  	[dreg:$0x1] =	wrdreg $0xFFFFFFFF  }
0xc4: {  	_ =	task.clear_ibuf [dreg:s9], $0x2FFFF;
	_ =	strace $0x9FFFFFFF  }
0xc5: {  	(tm) =	ssettm $0x7FFFFFFF  }
tec
execute0_lowered:
.L_overlay_start_1:
0x0: {  	(tag) =	ssettag $0x1  }
0x1: {  	s8 =	rddreg [dreg:$0x0];
	s0 =	srdreg.scid  }
0x2: {  	s1 =	stileid.u32;
	s5 =	rddreg [dreg:$0x2];
	s2 =	simm.s32 $0x0  }
0x3: {  	s18 =	simm.s32 $0x8000;
	s0 =	sand.u32 $0x1, s0;
	s1 =	sshll.u32 s1, $0x1  }
0x4: {  	v0 =	vlaneseq.u32;
	s14 =	simm.s32 $0xC000;
	[smem:$0x7FF] =	sst s2;
	s1 =	sor.u32 s0, s1  }
0x5: {  	v1 =	vand.u32 $0x7, v0;
	v0 =	vmul.u32 $0x10, v0;
	s31 =	sadd.s32 $0x4F5800, s5;
	s0 =	ssub.s32 $0x2, s0;
	s6 =	smul.u32 $0x50, s1  }
0x6: {  	_ =	strace $0x80000047;
	[dreg:$0xb] =	wrdreg s31;
	s3 =	smul.u32 $0x14000, s1  }
0x7: {  	v17 =	vmul.u32 $0x10, v1;
	s4 =	sshrl.u32 s0, $0x1;
	v2 =	vor.u32 $0x1, v0;
	v3 =	vor.u32 $0x2, v0;
	p3 =	sne.s32 s1, $0x1F;
	s29 =	smin.u32 s6, $0x99B  }
.Ltmp0:
0x8: {  	v4 =	vor.u32 $0x3, v0;
	v5 =	vor.u32 $0x4, v0;
	v6 =	vor.u32 $0x5, v0;
	s0 =	ssub.s32 s0, s4;
	s7 =	sadd.s32 $0x50, s29;
	(pc) =	sbr.rel .LBB2_1-.Ltmp0, $4  }
0x9: {  	v7 =	vor.u32 $0x6, v0;
	v8 =	vor.u32 $0x7, v0;
	v9 =	vor.u32 $0x8, v0;
	s30 =	sadd.s32 s8, s3;
	[dreg:$0x8] =	wrdreg s6;
	s2 =	ssub.s32 s7, s6  }
0xa: {  	v10 =	vor.u32 $0x9, v0;
	v11 =	vor.u32 $0xA, v0;
	v12 =	vor.u32 $0xB, v0;
	s0 =	smax.u32 s0, $0x1;
	[dreg:$0xa] =	wrdreg s30;
	p1 =	slt.s32 s2, $0x1  }
0xb: {  	v13 =	vor.u32 $0xC, v0;
	v14 =	vor.u32 $0xD, v0;
	v15 =	vor.u32 $0xE, v0;
	s1 =	simm.s32 $0x0;
	[dreg:$0xc] =	wrdreg s0;
	p2 =	seq.s32 @!p1 s2, $0x1  }
0xc: {  	v16 =	vor.u32 $0xF, v0;
	v1 =	vor.u32 $0xFFFFFE80, v17;
	v17 =	vor.u32 $0xFFFFFF80, v17;
	[dreg:$0x9] =	wrdreg s7;
	p0 =	sle.u32 s7, s6;
	p2 =	por p2, p1  }
.LBB2_11:
0xd: {  	s0 =	simm.s32 @!p1 $0x3  }
0xe: {  	_ =	swait.ge @!p1 [sflag:s0], $0x4000  }
0xf: {  	[sflag:s0] =	ssyncset.done @!p1 $0x0  }
0x10: {  	[sflag:s0] =	ssyncadd.s32 @!p1 $0xFFFFC000;
	s0 =	simm.s32 @!p2 $0x4  }
0x11: {  	_ =	swait.ge @!p2 [sflag:s0], $0x4000  }
0x12: {  	[sflag:s0] =	ssyncset.done @!p2 $0x0  }
0x13: {  	[sflag:s0] =	ssyncadd.s32 @!p2 $0xFFFFC000  }
0x14: {  	s1 =	simm.s32 @!p3 $0x8000;
	s0 =	simm.s32 @!p3 $0x0;
	s2 =	rddreg [dreg:$0x1]  }
0x15: {  	[tilespmem:s1], [sflag:$0x5] =	stream.linear.gather @!p3 [hbm4b:s2+s0], $0x400, $0x38;
	[tilespmem:$0x10000] =	vst v63  }
0x16: {  	s2 =	simm.s32 @!p3 $0x5  }
0x17: {  	_ =	swait.ge @!p3 [sflag:s2], $0x400  }
0x18: {  	[sflag:s2] =	ssyncset.done @!p3 $0x0  }
0x19: {  	s3 =	rddreg [dreg:$0xb];
	[sflag:s2] =	ssyncadd.s32 @!p3 $0xFFFFFC00  }
0x1a: {  	[hbm4b:s3+s0] =	stream.linear.scatter @!p3 [tilespmem:s1], [sflag:$0x5], $0x400, $0x38;
	[tilespmem:$0x10000] =	vst v63  }
0x1b: {  	_ =	swait.ge @!p3 [sflag:s2], $0x400  }
0x1c: {  	s30 =	rddreg [dreg:$0xd]  }
0x1d: {  	s31 =	rddreg [dreg:$0xc];
	s1 =	sadd.s32 $0x1, s30  }
0x1e: {  	p4 =	sne.s32 s1, s31  }
.Ltmp1:
0x1f: {  	_ = 	snop;
	(pc) =	sbr.rel @!p4 .LBB2_12-.Ltmp1, $3  }
0x20: {  	_ =	sdelay $0x1  }
0x21: {  	[sflag:s2] =	ssyncset.done @!p3 $0x0  }
0x22: {  	[sflag:s2] =	ssyncadd.s32 @!p3 $0xFFFFFC00  }
.LBB2_1:
.Ltmp2:
0x23: {  	(pc) =	sbr.rel .LBB2_2-.Ltmp2, $4  }
0x24: {  	_ = 	snop  }
0x25: {  	[dreg:$0xd] =	wrdreg s1;
	s0 =	simm.s32 @!p0 $0x2000;
	s1 =	simm.s32 @!p0 $0x13D6400  }
0x26: {  	s2 =	simm.s32 @!p0 $0x0;
	s3 =	rddreg [dreg:$0xa];
	s4 =	simm.s32 $0x0  }
0x27: {  	[tilespmem:s2], [sflag:$0x1] =	stream.strided.gather @!p0 [hbm4b:s3+s0], $0x4000, s1, s0, $0x38;
	[tilespmem:$0x10000] =	vst v63  }
.LBB2_10:
0x28: {  	s4 =	sadd.s32 $0x1, s4  }
0x29: {  	p4 =	sne.s32 s4, $0x28  }
.Ltmp3:
0x2a: {  	_ = 	snop;
	(pc) =	sbr.rel @!p4 .LBB2_11-.Ltmp3, $1  }
0x2b: {  	_ =	sdelay $0x3  }
.LBB2_2:
0x2c: {  	s0 =	sshll.u32 s4, $0x1;
	s1 =	rddreg [dreg:$0x8]  }
0x2d: {  	s31 =	rddreg [dreg:$0x9];
	s2 =	sadd.s32 s1, s0  }
0x2e: {  	p5 =	sge.u32 s2, s31  }
.Ltmp4:
0x2f: {  	_ = 	snop;
	(pc) =	sbr.rel @p5 .LBB2_6-.Ltmp4, $3  }
0x30: {  	_ =	sdelay $0x1  }
0x31: {  	[dreg:$0xe] =	wrdreg s4;
	s1 =	sor.u32 $0x1, s2  }
0x32: {  	[dreg:$0xf] =	wrdreg s1;
	p4 =	sge.u32 s1, s31  }
0x33: {  	s0 =	rddreg [dreg:$0xf]  }
0x34: {  	s1 =	simm.s32 @!p4 $0x2000;
	s0 =	sshll.u32 @!p4 s0, $0xA  }
0x35: {  	[dreg:$0x10] =	wrdreg s2;
	s2 =	simm.s32 @!p4 $0x13D6400;
	s0 =	sand.u32 @!p4 $0x1FFFFC00, s0  }
0x36: {  	s3 =	simm.s32 @!p4 $0x4000;
	s15 =	simm.s32 $0x1;
	s0 =	sadd.s32 @!p4 s8, s0  }
0x37: {  	[tilespmem:s3], [sflag:$0x2] =	stream.strided.gather @!p4 [hbm4b:s0+s1], $0x4000, s2, s1, $0x38;
	[tilespmem:$0x10000] =	vst v63  }
0x38: {  	_ =	swait.ge [sflag:s15], $0x4000  }
0x39: {  	p5 =	seq.s32 s4, $0x0;
	[sflag:s15] =	ssyncset.done $0x0  }
0x3a: {  	s16 =	simm.s32 $0x0;
	s1 =	simm.s32 @!p5 $0x3;
	[sflag:s15] =	ssyncadd.s32 $0xFFFFC000  }
0x3b: {  	s17 =	simm.s32 $0x0;
	s19 =	simm.s32 $0x0;
	_ =	swait.ge @!p5 [sflag:s1], $0x4000  }
0x3c: {  	s9 =	sand.u32 $0x60, s17;
	s10 =	sand.u32 $0x1C00, s16;
	[sflag:s1] =	ssyncset.done @!p5 $0x0  }
0x3d: {  	v18 =	vor.u32 s19, v0;
	s24 =	sor.u32 s9, s10;
	[sflag:s1] =	ssyncadd.s32 @!p5 $0xFFFFC000  }
0x3e: {  	v18 =	vand.u32 v1, v18;
	v19 =	vld [tilespmem:s24+$0x0];
	_ =	sdelay $0x3  }
0x3f: {  	s25 =	simm.s32 $0x10  }
0x40: {  	s15 =	sand.u32 $0x70, s25;
	s1 =	simm.s32 $0x100;
	[tilespmem:v18+s18+$0x0] =	vst.idx.msk $0xffff, v19  }
0x41: {  	v20 =	vor.u32 s19, v2;
	s12 =	sor.u32 s15, s10;
	v18 =	vor.u32 s1, v0;
	v19 =	vld [tilespmem:s24+$0x80]  }
0x42: {  	v21 =	vld [tilespmem:s12+$0x0];
	v18 =	vand.u32 v17, v18;
	_ =	sdelay $0x3  }
0x43: {  	[tilespmem:v20+s18+$0x0] =	vst.idx.msk $0xffff, v19  }
0x44: {  	[tilespmem:v18+s18+$0x0] =	vst.idx.msk $0xffff, v21;
	v19 =	vor.u32 s19, v3;
	v18 =	vld [tilespmem:s24+$0x100]  }
0x45: {  	v20 =	vor.u32 s1, v2;
	v21 =	vld [tilespmem:s12+$0x80];
	_ =	sdelay $0x3  }
0x46: {  	[tilespmem:v19+s18+$0x0] =	vst.idx.msk $0xffff, v18  }
0x47: {  	[tilespmem:v20+s18+$0x0] =	vst.idx.msk $0xffff, v21;
	v19 =	vor.u32 s19, v4;
	v18 =	vld [tilespmem:s24+$0x180]  }
0x48: {  	v20 =	vor.u32 s1, v3;
	v21 =	vld [tilespmem:s12+$0x100];
	_ =	sdelay $0x3  }
0x49: {  	[tilespmem:v19+s18+$0x0] =	vst.idx.msk $0xffff, v18  }
0x4a: {  	[tilespmem:v20+s18+$0x0] =	vst.idx.msk $0xffff, v21;
	v19 =	vor.u32 s19, v5;
	v18 =	vld [tilespmem:s24+$0x200]  }
0x4b: {  	s5 =	simm.s32 $0x30;
	s6 =	simm.s32 $0x100;
	s11 =	simm.s32 $0x20;
	v20 =	vor.u32 s1, v4;
	v21 =	vld [tilespmem:s12+$0x180]  }
0x4c: {  	s23 =	simm.s32 $0x200;
	s20 =	sand.u32 $0x60, s11;
	s21 =	sand.u32 $0x1C00, s6  }
0x4d: {  	s4 =	simm.s32 $0x300;
	v22 =	vor.u32 s23, v0;
	s22 =	sand.u32 $0x70, s5;
	s3 =	sor.u32 s20, s21  }
0x4e: {  	v23 =	vor.u32 s4, v0;
	v22 =	vand.u32 v1, v22;
	s7 =	sor.u32 s22, s21;
	v24 =	vld [tilespmem:s3+$0x0]  }
0x4f: {  	v23 =	vand.u32 v17, v23;
	v25 =	vld [tilespmem:s7+$0x0];
	[tilespmem:v19+s18+$0x0] =	vst.idx.msk $0xffff, v18  }
0x50: {  	[tilespmem:v20+s18+$0x0] =	vst.idx.msk $0xffff, v21;
	v19 =	vor.u32 s19, v6;
	v18 =	vld [tilespmem:s24+$0x280]  }
0x51: {  	v20 =	vor.u32 s1, v5;
	v21 =	vld [tilespmem:s12+$0x200]  }
0x52: {  	s13 =	sand.u32 $0x3, s16  }
0x53: {  	s13 =	sshll.u32 s13, $0x5;
	[tilespmem:v22+s18+$0x0] =	vst.idx.msk $0xffff, v24  }
0x54: {  	s13 =	sadd.s32 $0x0, s13;
	v24 =	vor.u32 s23, v2;
	[tilespmem:v23+s18+$0x0] =	vst.idx.msk $0xffff, v25;
	v22 =	vld [tilespmem:s3+$0x80]  }
0x55: {  	s13 =	sor.u32 $0x300, s13;
	v23 =	vor.u32 s4, v2;
	v25 =	vld [tilespmem:s7+$0x80];
	[tilespmem:v19+s18+$0x0] =	vst.idx.msk $0xffff, v18  }
0x56: {  	[tilespmem:v20+s18+$0x0] =	vst.idx.msk $0xffff, v21;
	v19 =	vor.u32 s19, v7;
	v18 =	vld [tilespmem:s13+$0x0]  }
0x57: {  	v20 =	vor.u32 s1, v6;
	v21 =	vld [tilespmem:s12+$0x280]  }
0x58: {  	s26 =	sand.u32 $0x7, s16  }
0x59: {  	[tilespmem:v24+s18+$0x0] =	vst.idx.msk $0xffff, v22;
	s12 =	sshll.u32 s26, $0x4  }
0x5a: {  	s8 =	sor.u32 s17, s16;
	v24 =	vor.u32 s23, v3;
	[tilespmem:v23+s18+$0x0] =	vst.idx.msk $0xffff, v25;
	v22 =	vld [tilespmem:s3+$0x100];
	s12 =	sadd.s32 $0x0, s12  }
0x5b: {  	s8 =	sor.u32 $0x380, s8;
	v23 =	vor.u32 s4, v3;
	v25 =	vld [tilespmem:s7+$0x100];
	s12 =	sadd.s32 $0x10, s12;
	[tilespmem:v19+s18+$0x0] =	vst.idx.msk $0xffff, v18  }
0x5c: {  	s12 =	sor.u32 $0x300, s12;
	[tilespmem:v20+s18+$0x0] =	vst.idx.msk $0xffff, v21;
	v19 =	vor.u32 s19, v8;
	v18 =	vld [tilespmem:s8+$0x0]  }
0x5d: {  	v20 =	vor.u32 s1, v7;
	v21 =	vld [tilespmem:s12+$0x0];
	_ =	sdelay $0x1  }
0x5e: {  	[tilespmem:v24+s18+$0x0] =	vst.idx.msk $0xffff, v22  }
0x5f: {  	v24 =	vor.u32 s23, v4;
	[tilespmem:v23+s18+$0x0] =	vst.idx.msk $0xffff, v25;
	v22 =	vld [tilespmem:s3+$0x180];
	s12 =	sor.u32 $0x2000, s10  }
0x60: {  	s0 =	sor.u32 s25, s16;
	v23 =	vor.u32 s4, v4;
	v25 =	vld [tilespmem:s7+$0x180];
	s13 =	sor.u32 s9, s12;
	[tilespmem:v19+s18+$0x0] =	vst.idx.msk $0xffff, v18  }
0x61: {  	s0 =	sor.u32 $0x380, s0;
	[tilespmem:v20+s18+$0x0] =	vst.idx.msk $0xffff, v21;
	v19 =	vor.u32 s19, v9;
	v18 =	vld [tilespmem:s13+$0x0]  }
0x62: {  	v20 =	vor.u32 s1, v8;
	v21 =	vld [tilespmem:s0+$0x0];
	_ =	sdelay $0x1  }
0x63: {  	[tilespmem:v24+s18+$0x0] =	vst.idx.msk $0xffff, v22  }
0x64: {  	s14 =	sor.u32 $0x2080, s10;
	v24 =	vor.u32 s23, v5;
	[tilespmem:v23+s18+$0x0] =	vst.idx.msk $0xffff, v25;
	v22 =	vld [tilespmem:s3+$0x200]  }
0x65: {  	s16 =	sor.u32 s9, s14;
	v23 =	vor.u32 s4, v5;
	v25 =	vld [tilespmem:s7+$0x200];
	[tilespmem:v19+s18+$0x0] =	vst.idx.msk $0xffff, v18  }
0x66: {  	s8 =	sor.u32 s15, s12;
	[tilespmem:v20+s18+$0x0] =	vst.idx.msk $0xffff, v21;
	v19 =	vor.u32 s19, v10;
	v18 =	vld [tilespmem:s16+$0x0]  }
0x67: {  	v20 =	vor.u32 s1, v9;
	v21 =	vld [tilespmem:s8+$0x0];
	_ =	sdelay $0x1  }
0x68: {  	s29 =	simm.s32 $0x50;
	s30 =	simm.s32 $0x500;
	[tilespmem:v24+s18+$0x0] =	vst.idx.msk $0xffff, v22  }
0x69: {  	s31 =	simm.s32 $0x200;
	s17 =	simm.s32 $0x2;
	[tilespmem:v23+s18+$0x0] =	vst.idx.msk $0xffff, v25;
	s12 =	sor.u32 $0x2100, s10  }
0x6a: {  	s28 =	simm.s32 $0x40;
	s25 =	sand.u32 $0x7, s17;
	v24 =	vor.u32 s23, v6;
	v22 =	vld [tilespmem:s3+$0x280];
	s24 =	sor.u32 s9, s12;
	[tilespmem:v19+s18+$0x0] =	vst.idx.msk $0xffff, v18  }
0x6b: {  	s26 =	sand.u32 $0x1C00, s31;
	s0 =	sor.u32 s15, s14;
	s14 =	sand.u32 $0x60, s28;
	[tilespmem:v20+s18+$0x0] =	vst.idx.msk $0xffff, v21;
	v19 =	vor.u32 s19, v11;
	v18 =	vld [tilespmem:s24+$0x0]  }
0x6c: {  	s16 =	sand.u32 $0x70, s29;
	v20 =	vor.u32 s1, v10;
	v21 =	vld [tilespmem:s0+$0x0];
	[dreg:$0x5] =	wrdreg s14;
	s0 =	simm.s32 $0x1  }
0x6d: {  	v27 =	vor.u32 s30, v0;
	v23 =	vor.u32 s4, v6;
	s8 =	sor.u32 s16, s26;
	s24 =	simm.s32 $0x400;
	v26 =	vld [tilespmem:s7+$0x280];
	s17 =	sand.u32 $0x3, s0  }
0x6e: {  	v27 =	vand.u32 v17, v27;
	s3 =	sor.u32 s14, s26;
	v25 =	vor.u32 s24, v0;
	v29 =	vld [tilespmem:s8+$0x0];
	s7 =	sshll.u32 s17, $0x5  }
0x6f: {  	s13 =	sshll.u32 s25, $0x4;
	v28 =	vld [tilespmem:s3+$0x0];
	[tilespmem:v24+s18+$0x0] =	vst.idx.msk $0xffff, v22;
	v25 =	vand.u32 v1, v25;
	s7 =	sadd.s32 $0x100, s7  }
0x70: {  	s2 =	smov.u32 s16;
	s16 =	sor.u32 $0x2180, s10;
	s7 =	sor.u32 $0x300, s7;
	[tilespmem:v19+s18+$0x0] =	vst.idx.msk $0xffff, v18  }
0x71: {  	s13 =	sadd.s32 $0x100, s13;
	v24 =	vor.u32 s23, v7;
	s17 =	sor.u32 s9, s16;
	[tilespmem:v20+s18+$0x0] =	vst.idx.msk $0xffff, v21;
	v22 =	vld [tilespmem:s7+$0x0]  }
0x72: {  	s12 =	sor.u32 s15, s12;
	s25 =	sadd.s32 $0x10, s13;
	v19 =	vor.u32 s19, v12;
	v18 =	vld [tilespmem:s17+$0x0];
	[tilespmem:v23+s18+$0x0] =	vst.idx.msk $0xffff, v26  }
0x73: {  	s13 =	sor.u32 $0x300, s25;
	v21 =	vor.u32 s1, v11;
	v20 =	vld [tilespmem:s12+$0x0];
	[tilespmem:v27+s18+$0x0] =	vst.idx.msk $0xffff, v29  }
0x74: {  	v23 =	vor.u32 s4, v7;
	[tilespmem:v25+s18+$0x0] =	vst.idx.msk $0xffff, v28;
	v25 =	vld [tilespmem:s13+$0x0]  }
0x75: {  	s11 =	sor.u32 s11, s6;
	v27 =	vor.u32 s30, v2;
	v29 =	vld [tilespmem:s8+$0x80]  }
0x76: {  	s25 =	sor.u32 $0x380, s11;
	s7 =	sor.u32 $0x2200, s10;
	v28 =	vor.u32 s24, v2;
	v26 =	vld [tilespmem:s3+$0x80];
	[tilespmem:v24+s18+$0x0] =	vst.idx.msk $0xffff, v22  }
0x77: {  	s14 =	sor.u32 s9, s7;
	v24 =	vor.u32 s23, v8;
	[tilespmem:v19+s18+$0x0] =	vst.idx.msk $0xffff, v18;
	v22 =	vld [tilespmem:s25+$0x0]  }
0x78: {  	s5 =	sor.u32 s5, s6;
	s17 =	sor.u32 s15, s16;
	[tilespmem:v21+s18+$0x0] =	vst.idx.msk $0xffff, v20;
	v19 =	vor.u32 s19, v13;
	v18 =	vld [tilespmem:s14+$0x0]  }
0x79: {  	s5 =	sor.u32 $0x380, s5;
	v21 =	vor.u32 s1, v12;
	v20 =	vld [tilespmem:s17+$0x0];
	[tilespmem:v23+s18+$0x0] =	vst.idx.msk $0xffff, v25  }
0x7a: {  	v23 =	vor.u32 s4, v8;
	[tilespmem:v27+s18+$0x0] =	vst.idx.msk $0xffff, v29;
	v25 =	vld [tilespmem:s5+$0x0]  }
0x7b: {  	v31 =	vor.u32 s30, v3;
	[tilespmem:v28+s18+$0x0] =	vst.idx.msk $0xffff, v26;
	v32 =	vld [tilespmem:s8+$0x100]  }
0x7c: {  	s11 =	sor.u32 $0x2280, s10;
	v28 =	vor.u32 s24, v3;
	v26 =	vld [tilespmem:s3+$0x100];
	[tilespmem:v24+s18+$0x0] =	vst.idx.msk $0xffff, v22  }
0x7d: {  	s13 =	sor.u32 s9, s11;
	s14 =	sor.u32 $0x2000, s21;
	[tilespmem:v19+s18+$0x0] =	vst.idx.msk $0xffff, v18  }
0x7e: {  	v34 =	vor.u32 s19, v14;
	s16 =	sor.u32 s20, s14;
	[tilespmem:v21+s18+$0x0] =	vst.idx.msk $0xffff, v20;
	v33 =	vld [tilespmem:s13+$0x0]  }
0x7f: {  	v40 =	vor.u32 s23, v9;
	s7 =	sor.u32 s15, s7;
	v38 =	vld [tilespmem:s16+$0x0];
	[tilespmem:v23+s18+$0x0] =	vst.idx.msk $0xffff, v25  }
0x80: {  	v42 =	vor.u32 s4, v9;
	v30 =	vor.u32 s4, v10;
	v35 =	vor.u32 s1, v13;
	s6 =	sor.u32 s22, s14;
	v24 =	vld [tilespmem:s7+$0x0];
	[tilespmem:v31+s18+$0x0] =	vst.idx.msk $0xffff, v32  }
0x81: {  	v46 =	vor.u32 s30, v4;
	v49 =	vor.u32 s19, v15;
	v39 =	vor.u32 s30, v5;
	[tilespmem:v28+s18+$0x0] =	vst.idx.msk $0xffff, v26;
	v26 =	vld [tilespmem:s6+$0x0]  }
0x82: {  	v37 =	vor.u32 s30, v6;
	v36 =	vor.u32 s30, v7;
	v45 =	vor.u32 s24, v4;
	s25 =	sor.u32 $0x2300, s10;
	v47 =	vld [tilespmem:s8+$0x180]  }
0x83: {  	v29 =	vor.u32 s4, v11;
	v27 =	vor.u32 s4, v12;
	s17 =	simm.s32 $0x4;
	s12 =	sor.u32 s9, s25;
	s14 =	sor.u32 $0x2080, s21;
	v22 =	vor.u32 s4, v15;
	v44 =	vld [tilespmem:s3+$0x180];
	[tilespmem:v34+s18+$0x0] =	vst.idx.msk $0xffff, v33  }
0x84: {  	v21 =	vor.u32 s1, v14;
	v19 =	vor.u32 s1, v15;
	v18 =	vor.u32 s1, v16;
	s1 =	sand.u32 $0x7, s17;
	s16 =	sor.u32 s20, s14;
	[tilespmem:v40+s18+$0x0] =	vst.idx.msk $0xffff, v38;
	v48 =	vld [tilespmem:s12+$0x0]  }
0x85: {  	s5 =	sor.u32 s22, s14;
	v20 =	vor.u32 s4, v16;
	v25 =	vor.u32 s4, v13;
	v23 =	vor.u32 s4, v14;
	s1 =	sshll.u32 s1, $0x4;
	s13 =	sor.u32 s15, s11;
	[tilespmem:v35+s18+$0x0] =	vst.idx.msk $0xffff, v24;
	v43 =	vld [tilespmem:s16+$0x0]  }
0x86: {  	s17 =	sor.u32 s29, s31;
	s4 =	simm.s32 $0x4;
	v32 =	vor.u32 s30, v11;
	v31 =	vor.u32 s30, v12;
	s1 =	sadd.s32 $0x200, s1;
	v28 =	vor.u32 s30, v13;
	v41 =	vld [tilespmem:s13+$0x0];
	[tilespmem:v42+s18+$0x0] =	vst.idx.msk $0xffff, v26  }
0x87: {  	s6 =	sor.u32 s15, s25;
	s25 =	sor.u32 $0x2380, s10;
	s10 =	simm.s32 $0x6;
	v38 =	vor.u32 s30, v10;
	v34 =	vor.u32 s30, v8;
	v33 =	vor.u32 s30, v9;
	[tilespmem:v46+s18+$0x0] =	vst.idx.msk $0xffff, v47;
	v42 =	vld [tilespmem:s5+$0x0]  }
0x88: {  	s1 =	sadd.s32 $0x10, s1;
	s7 =	sor.u32 s9, s25;
	s9 =	sor.u32 s15, s25;
	v35 =	vor.u32 s30, v14;
	v24 =	vor.u32 s30, v16;
	v26 =	vor.u32 s30, v15;
	[tilespmem:v45+s18+$0x0] =	vst.idx.msk $0xffff, v44;
	v46 =	vld [tilespmem:s8+$0x200]  }
0x89: {  	s11 =	sor.u32 $0x300, s1;
	s1 =	sor.u32 $0x380, s17;
	v47 =	vor.u32 s24, v5;
	v44 =	vor.u32 s23, v10;
	s5 =	simm.s32 $0x200;
	v45 =	vld [tilespmem:s3+$0x200];
	[tilespmem:v49+s18+$0x0] =	vst.idx.msk $0xffff, v48  }
.LBB2_4:
0x8a: {  	_ =	sdelay $0x2  }
0x8b: {  	s13 =	sor.u32 $0x2100, s21;
	v48 =	vld [tilespmem:s7+$0x0];
	v49 =	vor.u32 s19, v16;
	[tilespmem:v21+s18+$0x0] =	vst.idx.msk $0xffff, v41  }
0x8c: {  	s12 =	sand.u32 $0x7, s10;
	s19 =	smov.u32 s23;
	s17 =	sor.u32 s20, s13;
	[tilespmem:v44+s18+$0x0] =	vst.idx.msk $0xffff, v43;
	v59 =	vld [tilespmem:s6+$0x0]  }
0x8d: {  	s29 =	sadd.s32 $0x20, s29;
	s30 =	sadd.s32 $0x200, s30;
	s23 =	sor.u32 s22, s13;
	v44 =	vor.u32 s19, v11;
	[tilespmem:v30+s18+$0x0] =	vst.idx.msk $0xffff, v42;
	v43 =	vld [tilespmem:s17+$0x0]  }
0x8e: {  	s31 =	sadd.s32 $0x100, s31;
	s16 =	sshll.u32 s12, $0x4;
	s6 =	sadd.s32 $0xFFFFFFF0, s29;
	[tilespmem:v47+s18+$0x0] =	vst.idx.msk $0xffff, v45;
	v61 =	vld [tilespmem:s23+$0x0]  }
0x8f: {  	v52 =	vor.u32 s24, v6;
	s7 =	sadd.s32 $0xFFFFFF00, s30;
	s13 =	sand.u32 $0x1C00, s31;
	s12 =	sand.u32 $0x60, s6;
	[tilespmem:v39+s18+$0x0] =	vst.idx.msk $0xffff, v46;
	v51 =	vld [tilespmem:s3+$0x280]  }
0x90: {  	s0 =	sadd.s32 $0x1, s0;
	s15 =	sand.u32 $0x70, s29;
	v62 =	vor.u32 s7, v0;
	s3 =	sor.u32 s12, s13;
	v53 =	vld [tilespmem:s8+$0x280];
	[tilespmem:v49+s18+$0x0] =	vst.idx.msk $0xffff, v48  }
0x91: {  	v60 =	vor.u32 s30, v0;
	v63 =	vand.u32 v1, v62;
	s17 =	sand.u32 $0x3, s0;
	s23 =	sor.u32 $0x2180, s21;
	s8 =	sor.u32 s15, s13;
	v48 =	vld [tilespmem:s3+$0x0];
	[tilespmem:v19+s18+$0x0] =	vst.idx.msk $0xffff, v59  }
0x92: {  	s14 =	simm.s32 $0x8000;
	v47 =	vand.u32 v17, v60;
	s17 =	sshll.u32 s17, $0x5;
	v56 =	vld [tilespmem:s8+$0x0];
	[tilespmem:v44+s18+$0x0] =	vst.idx.msk $0xffff, v43;
	s18 =	sor.u32 s20, s23  }
0x93: {  	v58 =	vor.u32 s19, v12;
	s17 =	sadd.s32 s17, s5;
	[tilespmem:v29+s14+$0x0] =	vst.idx.msk $0xffff, v61;
	v57 =	vld [tilespmem:s18+$0x0]  }
0x94: {  	s25 =	sor.u32 s29, s31;
	s17 =	sor.u32 $0x300, s17;
	[tilespmem:v52+s14+$0x0] =	vst.idx.msk $0xffff, v51;
	v62 =	vld [tilespmem:s9+$0x0]  }
0x95: {  	v46 =	vor.u32 s30, v6;
	v59 =	vor.u32 s24, v7;
	s18 =	sor.u32 $0x380, s25;
	[tilespmem:v37+s14+$0x0] =	vst.idx.msk $0xffff, v53;
	s25 =	rddreg [dreg:$0x5];
	v52 =	vld [tilespmem:s17+$0x0]  }
0x96: {  	v37 =	vmov v46;
	s17 =	sor.u32 s22, s23;
	s23 =	smov.u32 s24;
	s24 =	smov.u32 s7;
	[tilespmem:v63+s14+$0x0] =	vst.idx.msk $0xffff, v48;
	v46 =	vld [tilespmem:s11+$0x0]  }
0x97: {  	s7 =	smov.u32 s20;
	s20 =	smov.u32 s25;
	s25 =	sor.u32 $0x2200, s21;
	v48 =	vld [tilespmem:s3+$0x80];
	v63 =	vor.u32 s24, v2;
	[tilespmem:v47+s14+$0x0] =	vst.idx.msk $0xffff, v56  }
0x98: {  	v50 =	vor.u32 s30, v2;
	s9 =	smov.u32 s22;
	s11 =	smov.u32 s12;
	s12 =	sor.u32 s7, s25;
	v47 =	vld [tilespmem:s8+$0x80];
	[tilespmem:v58+s14+$0x0] =	vst.idx.msk $0xffff, v57  }
0x99: {  	v60 =	vor.u32 s30, v11;
	s22 =	smov.u32 s2;
	s2 =	smov.u32 s15;
	s15 =	sor.u32 s28, s5;
	v56 =	vor.u32 s19, v13;
	[tilespmem:v18+s14+$0x0] =	vst.idx.msk $0xffff, v62;
	v53 =	vld [tilespmem:s12+$0x0]  }
0x9a: {  	s16 =	sadd.s32 s31, s16;
	v29 =	vmov v32;
	v32 =	vmov v60;
	v61 =	vor.u32 s30, v16;
	s15 =	sor.u32 $0x380, s15;
	[tilespmem:v59+s14+$0x0] =	vst.idx.msk $0xffff, v52;
	v60 =	vld [tilespmem:s17+$0x0]  }
0x9b: {  	s16 =	sadd.s32 $0x10, s16;
	v18 =	vmovc v20;
	v20 =	vmov v24;
	v24 =	vmov v61;
	v62 =	vor.u32 s23, v8;
	[tilespmem:v36+s14+$0x0] =	vst.idx.msk $0xffff, v46;
	v61 =	vld [tilespmem:s15+$0x0]  }
0x9c: {  	s16 =	sor.u32 $0x300, s16;
	[tilespmem:v63+s14+$0x0] =	vst.idx.msk $0xffff, v48;
	v46 =	vld [tilespmem:s1+$0x0];
	s1 =	smov.u32 s18;
	s18 =	simm.s32 $0x8000  }
0x9d: {  	[dreg:$0x5] =	wrdreg s11;
	s11 =	smov.u32 s16;
	s16 =	sor.u32 $0x2280, s21;
	v63 =	vor.u32 s24, v3;
	v48 =	vld [tilespmem:s3+$0x100];
	[tilespmem:v50+s18+$0x0] =	vst.idx.msk $0xffff, v47  }
0x9e: {  	v41 =	vor.u32 s30, v3;
	s17 =	sor.u32 s7, s16;
	v47 =	vld [tilespmem:s8+$0x100];
	[tilespmem:v56+s18+$0x0] =	vst.idx.msk $0xffff, v53  }
0x9f: {  	s25 =	sor.u32 s9, s25;
	v57 =	vor.u32 s19, v14;
	s14 =	sor.u32 $0x2000, s26;
	[tilespmem:v27+s18+$0x0] =	vst.idx.msk $0xffff, v60;
	v56 =	vld [tilespmem:s17+$0x0]  }
0xa0: {  	s15 =	sor.u32 s9, s16;
	s16 =	sor.u32 s20, s14;
	[tilespmem:v62+s18+$0x0] =	vst.idx.msk $0xffff, v61;
	v58 =	vld [tilespmem:s25+$0x0]  }
0xa1: {  	s28 =	smov.u32 s6;
	s6 =	sor.u32 s22, s14;
	v60 =	vor.u32 s23, v9;
	[tilespmem:v34+s18+$0x0] =	vst.idx.msk $0xffff, v46;
	v59 =	vld [tilespmem:s16+$0x0]  }
0xa2: {  	[tilespmem:v63+s18+$0x0] =	vst.idx.msk $0xffff, v48;
	v46 =	vld [tilespmem:s6+$0x0]  }
0xa3: {  	v61 =	vor.u32 s24, v4;
	s17 =	sor.u32 $0x2300, s21;
	v48 =	vld [tilespmem:s3+$0x180];
	[tilespmem:v41+s18+$0x0] =	vst.idx.msk $0xffff, v47  }
0xa4: {  	s4 =	sadd.s32 $0x2, s4;
	v40 =	vor.u32 s30, v4;
	s25 =	sor.u32 s7, s17;
	v62 =	vld [tilespmem:s8+$0x180];
	[tilespmem:v57+s18+$0x0] =	vst.idx.msk $0xffff, v56  }
0xa5: {  	p5 =	slt.u32 s4, $0x3E;
	s14 =	sor.u32 $0x2080, s26;
	v63 =	vor.u32 s19, v15;
	[tilespmem:v25+s18+$0x0] =	vst.idx.msk $0xffff, v58;
	v50 =	vld [tilespmem:s25+$0x0]  }
.Ltmp5:
0xa6: {  	v54 =	vor.u32 s30, v7;
	v55 =	vor.u32 s30, v8;
	v43 =	vor.u32 s30, v12;
	s6 =	sor.u32 s9, s17;
	s17 =	sor.u32 s20, s14;
	[tilespmem:v60+s18+$0x0] =	vst.idx.msk $0xffff, v59;
	v41 =	vld [tilespmem:s15+$0x0];
	(pc) =	sbr.rel @p5 .LBB2_4-.Ltmp5, $4  }
0xa7: {  	v21 =	vmovc v23;
	v23 =	vmovc v35;
	v42 =	vor.u32 s30, v9;
	v27 =	vmov v31;
	v31 =	vmov v43;
	s16 =	sor.u32 s22, s14;
	[tilespmem:v33+s18+$0x0] =	vst.idx.msk $0xffff, v46;
	v43 =	vld [tilespmem:s17+$0x0]  }
0xa8: {  	s10 =	sadd.s32 $0x2, s10;
	v35 =	vor.u32 s30, v14;
	v30 =	vmovc v38;
	v38 =	vor.u32 s30, v10;
	v39 =	vor.u32 s30, v5;
	v33 =	vmovc v42;
	[tilespmem:v61+s18+$0x0] =	vst.idx.msk $0xffff, v48;
	v42 =	vld [tilespmem:s16+$0x0]  }
0xa9: {  	v19 =	vmovc v22;
	v22 =	vmovc v26;
	v26 =	vor.u32 s30, v15;
	v44 =	vor.u32 s30, v13;
	s5 =	smov.u32 s31;
	v36 =	vmov v54;
	s25 =	sor.u32 $0x2380, s21;
	s21 =	smov.u32 s26;
	v45 =	vld [tilespmem:s3+$0x200];
	[tilespmem:v40+s18+$0x0] =	vst.idx.msk $0xffff, v62  }
0xaa: {  	v34 =	vmovc v55;
	v47 =	vor.u32 s24, v5;
	v25 =	vmovc v28;
	v28 =	vmov v44;
	v44 =	vor.u32 s23, v10;
	s26 =	smov.u32 s13;
	s7 =	sor.u32 s7, s25;
	s9 =	sor.u32 s9, s25;
	v46 =	vld [tilespmem:s8+$0x200];
	[tilespmem:v63+s18+$0x0] =	vst.idx.msk $0xffff, v50  }
0xab: {  	_ =	sdelay $0x3  }
0xac: {  	[tilespmem:v47+s18+$0x0] =	vst.idx.msk $0xffff, v45  }
0xad: {  	v54 =	vor.u32 s24, v6;
	v40 =	vld [tilespmem:s3+$0x280]  }
0xae: {  	s0 =	sadd.s32 $0x1, s0  }
0xaf: {  	s0 =	sand.u32 $0x3, s0  }
0xb0: {  	s0 =	sshll.u32 s0, $0x5;
	[tilespmem:v39+s18+$0x0] =	vst.idx.msk $0xffff, v46  }
0xb1: {  	s0 =	sadd.s32 s0, s5;
	v39 =	vld [tilespmem:s8+$0x280]  }
0xb2: {  	s0 =	sor.u32 $0x300, s0;
	[tilespmem:v54+s18+$0x0] =	vst.idx.msk $0xffff, v40  }
0xb3: {  	v55 =	vor.u32 s24, v7;
	v40 =	vld [tilespmem:s0+$0x0];
	_ =	sdelay $0x2  }
0xb4: {  	[tilespmem:v37+s18+$0x0] =	vst.idx.msk $0xffff, v39  }
0xb5: {  	s8 =	sor.u32 s28, s5;
	v37 =	vld [tilespmem:s11+$0x0]  }
0xb6: {  	s0 =	sor.u32 $0x380, s8;
	[tilespmem:v55+s18+$0x0] =	vst.idx.msk $0xffff, v40  }
0xb7: {  	v57 =	vor.u32 s24, v8;
	v56 =	vld [tilespmem:s0+$0x0];
	_ =	sdelay $0x2  }
0xb8: {  	[tilespmem:v36+s18+$0x0] =	vst.idx.msk $0xffff, v37  }
0xb9: {  	v36 =	vld [tilespmem:s1+$0x0]  }
0xba: {  	[tilespmem:v57+s18+$0x0] =	vst.idx.msk $0xffff, v56  }
0xbb: {  	s10 =	sor.u32 $0x2000, s26;
	s28 =	rddreg [dreg:$0x5]  }
0xbc: {  	s11 =	sor.u32 s28, s10  }
0xbd: {  	v59 =	vor.u32 s24, v9;
	v58 =	vld [tilespmem:s11+$0x0]  }
0xbe: {  	s0 =	sor.u32 s2, s10;
	[tilespmem:v34+s18+$0x0] =	vst.idx.msk $0xffff, v36  }
0xbf: {  	v34 =	vld [tilespmem:s0+$0x0];
	_ =	sdelay $0x1  }
0xc0: {  	s12 =	sor.u32 $0x2080, s26  }
0xc1: {  	s13 =	sor.u32 s28, s12;
	[tilespmem:v59+s18+$0x0] =	vst.idx.msk $0xffff, v58  }
0xc2: {  	v61 =	vor.u32 s24, v10;
	v60 =	vld [tilespmem:s13+$0x0]  }
0xc3: {  	s0 =	sor.u32 s2, s12;
	[tilespmem:v33+s18+$0x0] =	vst.idx.msk $0xffff, v34  }
0xc4: {  	s14 =	sor.u32 $0x2100, s21;
	v33 =	vld [tilespmem:s0+$0x0]  }
0xc5: {  	s15 =	sor.u32 s20, s14;
	[tilespmem:v44+s18+$0x0] =	vst.idx.msk $0xffff, v43  }
0xc6: {  	v63 =	vor.u32 s23, v11;
	s16 =	sor.u32 $0x2100, s26;
	[tilespmem:v30+s18+$0x0] =	vst.idx.msk $0xffff, v42;
	v62 =	vld [tilespmem:s15+$0x0];
	s0 =	sor.u32 s22, s14  }
0xc7: {  	s17 =	sor.u32 s28, s16;
	v30 =	vld [tilespmem:s0+$0x0];
	[tilespmem:v61+s18+$0x0] =	vst.idx.msk $0xffff, v60  }
0xc8: {  	v42 =	vor.u32 s24, v11;
	v36 =	vld [tilespmem:s17+$0x0]  }
0xc9: {  	s1 =	sor.u32 s2, s16;
	[tilespmem:v38+s18+$0x0] =	vst.idx.msk $0xffff, v33  }
0xca: {  	s25 =	sor.u32 $0x2180, s21;
	v33 =	vld [tilespmem:s1+$0x0]  }
0xcb: {  	s29 =	sor.u32 s20, s25;
	[tilespmem:v63+s18+$0x0] =	vst.idx.msk $0xffff, v62  }
0xcc: {  	s30 =	sor.u32 $0x2180, s26;
	v43 =	vor.u32 s23, v12;
	v34 =	vld [tilespmem:s29+$0x0];
	s0 =	sor.u32 s22, s25;
	[tilespmem:v29+s18+$0x0] =	vst.idx.msk $0xffff, v30  }
0xcd: {  	s31 =	sor.u32 s28, s30;
	v29 =	vld [tilespmem:s0+$0x0];
	[tilespmem:v42+s18+$0x0] =	vst.idx.msk $0xffff, v36  }
0xce: {  	v45 =	vor.u32 s24, v12;
	v44 =	vld [tilespmem:s31+$0x0]  }
0xcf: {  	s1 =	sor.u32 s2, s30;
	[tilespmem:v32+s18+$0x0] =	vst.idx.msk $0xffff, v33  }
0xd0: {  	s3 =	sor.u32 $0x2200, s21;
	v32 =	vld [tilespmem:s1+$0x0]  }
0xd1: {  	s4 =	sor.u32 s20, s3;
	[tilespmem:v43+s18+$0x0] =	vst.idx.msk $0xffff, v34  }
0xd2: {  	v47 =	vor.u32 s23, v13;
	s5 =	sor.u32 $0x2200, s26;
	v46 =	vld [tilespmem:s4+$0x0];
	s0 =	sor.u32 s22, s3;
	[tilespmem:v27+s18+$0x0] =	vst.idx.msk $0xffff, v29  }
0xd3: {  	s8 =	sor.u32 s28, s5;
	v27 =	vld [tilespmem:s0+$0x0];
	[tilespmem:v45+s18+$0x0] =	vst.idx.msk $0xffff, v44  }
0xd4: {  	v49 =	vor.u32 s24, v13;
	v48 =	vld [tilespmem:s8+$0x0]  }
0xd5: {  	s1 =	sor.u32 s2, s5;
	[tilespmem:v31+s18+$0x0] =	vst.idx.msk $0xffff, v32  }
0xd6: {  	s10 =	sor.u32 $0x2280, s21;
	v31 =	vld [tilespmem:s1+$0x0]  }
0xd7: {  	s11 =	sor.u32 s20, s10;
	[tilespmem:v47+s18+$0x0] =	vst.idx.msk $0xffff, v46  }
0xd8: {  	v51 =	vor.u32 s23, v14;
	s12 =	sor.u32 $0x2280, s26;
	v50 =	vld [tilespmem:s11+$0x0];
	s0 =	sor.u32 s22, s10;
	[tilespmem:v25+s18+$0x0] =	vst.idx.msk $0xffff, v27  }
0xd9: {  	s13 =	sor.u32 s28, s12;
	v25 =	vld [tilespmem:s0+$0x0];
	[tilespmem:v49+s18+$0x0] =	vst.idx.msk $0xffff, v48  }
0xda: {  	v53 =	vor.u32 s24, v14;
	v52 =	vld [tilespmem:s13+$0x0]  }
0xdb: {  	s1 =	sor.u32 s2, s12;
	[tilespmem:v28+s18+$0x0] =	vst.idx.msk $0xffff, v31  }
0xdc: {  	[tilespmem:v21+s18+$0x0] =	vst.idx.msk $0xffff, v41;
	s14 =	sor.u32 $0x2300, s21;
	v28 =	vld [tilespmem:s1+$0x0]  }
0xdd: {  	v21 =	vld [tilespmem:s6+$0x0];
	s15 =	sor.u32 s20, s14;
	[tilespmem:v51+s18+$0x0] =	vst.idx.msk $0xffff, v50  }
0xde: {  	v55 =	vor.u32 s23, v15;
	s16 =	sor.u32 $0x2300, s26;
	v54 =	vld [tilespmem:s15+$0x0];
	s0 =	sor.u32 s22, s14;
	[tilespmem:v23+s18+$0x0] =	vst.idx.msk $0xffff, v25  }
0xdf: {  	s17 =	sor.u32 s28, s16;
	v23 =	vld [tilespmem:s0+$0x0];
	[tilespmem:v53+s18+$0x0] =	vst.idx.msk $0xffff, v52  }
0xe0: {  	v57 =	vor.u32 s24, v15;
	v56 =	vld [tilespmem:s17+$0x0]  }
0xe1: {  	v58 =	vld [tilespmem:s7+$0x0];
	v59 =	vor.u32 s19, v16;
	s1 =	sor.u32 s2, s16;
	[tilespmem:v35+s18+$0x0] =	vst.idx.msk $0xffff, v28  }
0xe2: {  	[tilespmem:v19+s18+$0x0] =	vst.idx.msk $0xffff, v21;
	s21 =	sor.u32 $0x2380, s21;
	v28 =	vld [tilespmem:s1+$0x0]  }
0xe3: {  	v19 =	vld [tilespmem:s9+$0x0];
	s25 =	sor.u32 s20, s21;
	[tilespmem:v55+s18+$0x0] =	vst.idx.msk $0xffff, v54  }
0xe4: {  	s26 =	sor.u32 $0x2380, s26;
	v61 =	vor.u32 s23, v16;
	v60 =	vld [tilespmem:s25+$0x0];
	s0 =	sor.u32 s22, s21;
	[tilespmem:v22+s18+$0x0] =	vst.idx.msk $0xffff, v23  }
0xe5: {  	s28 =	sor.u32 s28, s26;
	v22 =	vld [tilespmem:s0+$0x0];
	[tilespmem:v57+s18+$0x0] =	vst.idx.msk $0xffff, v56  }
0xe6: {  	v63 =	vor.u32 s24, v16;
	[tilespmem:v59+s18+$0x0] =	vst.idx.msk $0xffff, v58;
	v62 =	vld [tilespmem:s28+$0x0]  }
0xe7: {  	s1 =	sor.u32 s2, s26;
	[tilespmem:v26+s18+$0x0] =	vst.idx.msk $0xffff, v28  }
0xe8: {  	[tilespmem:v18+s18+$0x0] =	vst.idx.msk $0xffff, v19;
	v26 =	vld [tilespmem:s1+$0x0]  }
0xe9: {  	[tilespmem:v61+s18+$0x0] =	vst.idx.msk $0xffff, v60  }
0xea: {  	[tilespmem:v20+s18+$0x0] =	vst.idx.msk $0xffff, v22  }
0xeb: {  	s30 =	rddreg [dreg:$0x2];
	[tilespmem:v63+s18+$0x0] =	vst.idx.msk $0xffff, v62  }
0xec: {  	s2 =	rddreg [dreg:$0x10]  }
0xed: {  	s31 =	simm.s32 $0x0;
	s8 =	rddreg [dreg:$0x0];
	[tilespmem:v24+s18+$0x0] =	vst.idx.msk $0xffff, v26;
	s29 =	sshll.u32 s2, $0xB  }
0xee: {  	s14 =	simm.s32 $0xC000;
	s4 =	rddreg [dreg:$0xe];
	s0 =	sadd.s32 s30, s29  }
0xef: {  	[hbm4b:s0+s31] =	stream.linear.scatter [tilespmem:s18], [sflag:$0x3], $0x4000, $0x38;
	[tilespmem:$0x10000] =	vst v63  }
.LBB2_6:
.Ltmp6:
0xf0: {  	(pc) =	sbr.rel @p4 .LBB2_10-.Ltmp6, $1  }
0xf1: {  	_ =	sdelay $0x3  }
0xf2: {  	s0 =	sadd.s32 $0x2, s2;
	s1 =	rddreg [dreg:$0x9]  }
0xf3: {  	p4 =	sge.u32 s0, s1  }
0xf4: {  	s0 =	sshll.u32 @!p4 s0, $0xA  }
0xf5: {  	s21 =	simm.s32 $0x2;
	s1 =	simm.s32 @!p4 $0x2000;
	s0 =	sand.u32 @!p4 $0x1FFFF800, s0  }
0xf6: {  	s2 =	simm.s32 @!p4 $0x13D6400;
	s3 =	simm.s32 @!p4 $0x0;
	s0 =	sadd.s32 @!p4 s8, s0  }
0xf7: {  	[tilespmem:s3], [sflag:$0x1] =	stream.strided.gather @!p4 [hbm4b:s0+s1], $0x4000, s2, s1, $0x38;
	[tilespmem:$0x10000] =	vst v63  }
0xf8: {  	_ =	swait.ge [sflag:s21], $0x4000  }
0xf9: {  	s22 =	simm.s32 $0x0;
	p4 =	seq.s32 s4, $0x0;
	[sflag:s21] =	ssyncset.done $0x0  }
0xfa: {  	s9 =	sand.u32 $0x1C00, s22;
	s2 =	simm.s32 @!p4 $0x4;
	[sflag:s21] =	ssyncadd.s32 $0xFFFFC000  }
0xfb: {  	s11 =	simm.s32 $0x10;
	s24 =	sor.u32 $0x4000, s9;
	_ =	swait.ge @!p4 [sflag:s2], $0x4000  }
0xfc: {  	s0 =	simm.s32 $0x100;
	s1 =	sand.u32 $0x70, s11;
	[sflag:s2] =	ssyncset.done @!p4 $0x0  }
0xfd: {  	v18 =	vor.u32 s0, v0;
	s6 =	sor.u32 s1, s24;
	[sflag:s2] =	ssyncadd.s32 @!p4 $0xFFFFC000  }
0xfe: {  	v18 =	vand.u32 v17, v18;
	v19 =	vld [tilespmem:s6+$0x0];
	_ =	sdelay $0x4  }
0xff: {  	[tilespmem:v18+s14+$0x0] =	vst.idx.msk $0xffff, v19  }
0x100: {  	v19 =	vor.u32 s0, v2;
	v18 =	vld [tilespmem:s6+$0x80];
	_ =	sdelay $0x3  }
0x101: {  	s5 =	simm.s32 $0x0  }
0x102: {  	s10 =	sand.u32 $0x60, s5;
	s8 =	simm.s32 $0x0;
	[tilespmem:v19+s14+$0x0] =	vst.idx.msk $0xffff, v18  }
0x103: {  	s12 =	sor.u32 s10, s24;
	v20 =	vor.u32 s0, v3;
	v18 =	vor.u32 s8, v0;
	v19 =	vld [tilespmem:s6+$0x100]  }
0x104: {  	v21 =	vld [tilespmem:s12+$0x0];
	v18 =	vand.u32 v1, v18;
	_ =	sdelay $0x3  }
0x105: {  	[tilespmem:v20+s14+$0x0] =	vst.idx.msk $0xffff, v19  }
0x106: {  	[tilespmem:v18+s14+$0x0] =	vst.idx.msk $0xffff, v21;
	v19 =	vor.u32 s0, v4;
	v18 =	vld [tilespmem:s6+$0x180]  }
0x107: {  	v20 =	vor.u32 s8, v2;
	v21 =	vld [tilespmem:s12+$0x80];
	_ =	sdelay $0x3  }
0x108: {  	[tilespmem:v19+s14+$0x0] =	vst.idx.msk $0xffff, v18  }
0x109: {  	[tilespmem:v20+s14+$0x0] =	vst.idx.msk $0xffff, v21;
	v19 =	vor.u32 s0, v5;
	v18 =	vld [tilespmem:s6+$0x200]  }
0x10a: {  	v20 =	vor.u32 s8, v3;
	v21 =	vld [tilespmem:s12+$0x100];
	_ =	sdelay $0x2  }
0x10b: {  	s23 =	simm.s32 $0x100  }
0x10c: {  	s29 =	sand.u32 $0x1C00, s23;
	s24 =	simm.s32 $0x30;
	[tilespmem:v19+s14+$0x0] =	vst.idx.msk $0xffff, v18  }
0x10d: {  	s18 =	simm.s32 $0x300;
	s13 =	sor.u32 $0x4000, s29;
	s20 =	sand.u32 $0x70, s24;
	[tilespmem:v20+s14+$0x0] =	vst.idx.msk $0xffff, v21;
	v19 =	vor.u32 s0, v6;
	v18 =	vld [tilespmem:s6+$0x280]  }
0x10e: {  	v22 =	vor.u32 s18, v0;
	s25 =	sand.u32 $0x7, s22;
	s7 =	sor.u32 s20, s13;
	v20 =	vor.u32 s8, v4;
	v21 =	vld [tilespmem:s12+$0x180]  }
0x10f: {  	v22 =	vand.u32 v17, v22;
	s3 =	sshll.u32 s25, $0x4;
	v23 =	vld [tilespmem:s7+$0x0]  }
0x110: {  	s3 =	sadd.s32 $0x0, s3  }
0x111: {  	s3 =	sadd.s32 $0x10, s3  }
0x112: {  	s3 =	sor.u32 $0x300, s3;
	[tilespmem:v19+s14+$0x0] =	vst.idx.msk $0xffff, v18  }
0x113: {  	[tilespmem:v20+s14+$0x0] =	vst.idx.msk $0xffff, v21;
	v19 =	vor.u32 s0, v7;
	v18 =	vld [tilespmem:s3+$0x4000]  }
0x114: {  	[tilespmem:v22+s14+$0x0] =	vst.idx.msk $0xffff, v23;
	v20 =	vor.u32 s8, v5;
	v21 =	vld [tilespmem:s12+$0x200]  }
0x115: {  	v23 =	vor.u32 s18, v2;
	v22 =	vld [tilespmem:s7+$0x80];
	s6 =	simm.s32 $0x20  }
0x116: {  	s15 =	simm.s32 $0x200;
	s3 =	sand.u32 $0x60, s6  }
0x117: {  	v24 =	vor.u32 s15, v0;
	s11 =	sor.u32 s11, s22;
	s17 =	sor.u32 s3, s13  }
0x118: {  	v24 =	vand.u32 v1, v24;
	s11 =	sor.u32 $0x380, s11;
	v25 =	vld [tilespmem:s17+$0x0];
	[tilespmem:v19+s14+$0x0] =	vst.idx.msk $0xffff, v18  }
0x119: {  	[tilespmem:v20+s14+$0x0] =	vst.idx.msk $0xffff, v21;
	v19 =	vor.u32 s0, v8;
	v18 =	vld [tilespmem:s11+$0x4000]  }
0x11a: {  	[tilespmem:v23+s14+$0x0] =	vst.idx.msk $0xffff, v22;
	v20 =	vor.u32 s8, v6;
	v21 =	vld [tilespmem:s12+$0x280]  }
0x11b: {  	v23 =	vor.u32 s18, v3;
	v22 =	vld [tilespmem:s7+$0x100]  }
0x11c: {  	s26 =	sand.u32 $0x3, s22  }
0x11d: {  	s2 =	sor.u32 $0x6000, s9;
	s11 =	sshll.u32 s26, $0x5;
	[tilespmem:v24+s14+$0x0] =	vst.idx.msk $0xffff, v25  }
0x11e: {  	s19 =	sor.u32 s1, s2;
	s11 =	sadd.s32 $0x0, s11;
	v24 =	vor.u32 s15, v2;
	v25 =	vld [tilespmem:s17+$0x80];
	[tilespmem:v19+s14+$0x0] =	vst.idx.msk $0xffff, v18  }
0x11f: {  	s11 =	sor.u32 $0x300, s11;
	[tilespmem:v20+s14+$0x0] =	vst.idx.msk $0xffff, v21;
	v19 =	vor.u32 s0, v9;
	v18 =	vld [tilespmem:s19+$0x0]  }
0x120: {  	[tilespmem:v23+s14+$0x0] =	vst.idx.msk $0xffff, v22;
	v20 =	vor.u32 s8, v7;
	v21 =	vld [tilespmem:s11+$0x4000]  }
0x121: {  	v23 =	vor.u32 s18, v4;
	v22 =	vld [tilespmem:s7+$0x180];
	_ =	sdelay $0x1  }
0x122: {  	s11 =	sor.u32 $0x6080, s9;
	[tilespmem:v24+s14+$0x0] =	vst.idx.msk $0xffff, v25  }
0x123: {  	s4 =	sor.u32 s5, s22;
	v24 =	vor.u32 s15, v3;
	s21 =	sor.u32 s1, s11;
	v25 =	vld [tilespmem:s17+$0x100];
	[tilespmem:v19+s14+$0x0] =	vst.idx.msk $0xffff, v18  }
0x124: {  	s4 =	sor.u32 $0x380, s4;
	[tilespmem:v20+s14+$0x0] =	vst.idx.msk $0xffff, v21;
	v19 =	vor.u32 s0, v10;
	v18 =	vld [tilespmem:s21+$0x0]  }
0x125: {  	[tilespmem:v23+s14+$0x0] =	vst.idx.msk $0xffff, v22;
	v20 =	vor.u32 s8, v8;
	v21 =	vld [tilespmem:s4+$0x4000]  }
0x126: {  	v23 =	vor.u32 s18, v5;
	v22 =	vld [tilespmem:s7+$0x200];
	_ =	sdelay $0x1  }
0x127: {  	s16 =	sor.u32 $0x6100, s9;
	[tilespmem:v24+s14+$0x0] =	vst.idx.msk $0xffff, v25  }
0x128: {  	s22 =	sor.u32 s1, s16;
	s13 =	simm.s32 $0x200;
	v24 =	vor.u32 s15, v4;
	v25 =	vld [tilespmem:s17+$0x180];
	[tilespmem:v19+s14+$0x0] =	vst.idx.msk $0xffff, v18  }
0x129: {  	s25 =	simm.s32 $0x50;
	s12 =	sor.u32 s10, s2;
	s19 =	sand.u32 $0x1C00, s13;
	[tilespmem:v20+s14+$0x0] =	vst.idx.msk $0xffff, v21;
	v19 =	vor.u32 s0, v11;
	v18 =	vld [tilespmem:s22+$0x0]  }
0x12a: {  	[tilespmem:v23+s14+$0x0] =	vst.idx.msk $0xffff, v22;
	s4 =	sand.u32 $0x70, s25;
	v20 =	vor.u32 s8, v9;
	v21 =	vld [tilespmem:s12+$0x0];
	s22 =	simm.s32 $0x500;
	s12 =	sor.u32 $0x4000, s19  }
0x12b: {  	v23 =	vor.u32 s18, v6;
	v22 =	vld [tilespmem:s7+$0x280];
	s26 =	simm.s32 $0x2;
	v26 =	vor.u32 s22, v0;
	s25 =	sor.u32 s4, s12  }
0x12c: {  	s5 =	sand.u32 $0x7, s26;
	v27 =	vld [tilespmem:s25+$0x0];
	v26 =	vand.u32 v17, v26  }
0x12d: {  	s26 =	sor.u32 $0x6180, s9;
	s5 =	sshll.u32 s5, $0x4;
	[tilespmem:v24+s14+$0x0] =	vst.idx.msk $0xffff, v25  }
0x12e: {  	s2 =	sor.u32 s1, s26;
	s5 =	sadd.s32 $0x100, s5;
	v24 =	vor.u32 s15, v5;
	v25 =	vld [tilespmem:s17+$0x200];
	[tilespmem:v19+s14+$0x0] =	vst.idx.msk $0xffff, v18  }
0x12f: {  	s5 =	sadd.s32 $0x10, s5;
	s21 =	sor.u32 s10, s11;
	[tilespmem:v20+s14+$0x0] =	vst.idx.msk $0xffff, v21;
	v19 =	vor.u32 s0, v12;
	v18 =	vld [tilespmem:s2+$0x0]  }
0x130: {  	[tilespmem:v23+s14+$0x0] =	vst.idx.msk $0xffff, v22;
	s5 =	sor.u32 $0x300, s5;
	s11 =	simm.s32 $0x40;
	v20 =	vor.u32 s8, v10;
	v21 =	vld [tilespmem:s21+$0x0]  }
0x131: {  	v23 =	vor.u32 s18, v7;
	v22 =	vld [tilespmem:s5+$0x4000];
	s5 =	simm.s32 $0x400;
	s21 =	sand.u32 $0x60, s11;
	[tilespmem:v26+s14+$0x0] =	vst.idx.msk $0xffff, v27  }
0x132: {  	v28 =	vor.u32 s22, v2;
	s7 =	sor.u32 s21, s12;
	v26 =	vor.u32 s5, v0;
	v27 =	vld [tilespmem:s25+$0x80]  }
0x133: {  	[tilespmem:v24+s14+$0x0] =	vst.idx.msk $0xffff, v25;
	s12 =	sor.u32 $0x6200, s9;
	v24 =	vld [tilespmem:s7+$0x0];
	v25 =	vand.u32 v1, v26  }
0x134: {  	v29 =	vor.u32 s15, v6;
	v26 =	vld [tilespmem:s17+$0x280];
	s2 =	sor.u32 s1, s12;
	[tilespmem:v19+s14+$0x0] =	vst.idx.msk $0xffff, v18  }
0x135: {  	s16 =	sor.u32 s10, s16;
	s17 =	sor.u32 s24, s23;
	[tilespmem:v20+s14+$0x0] =	vst.idx.msk $0xffff, v21;
	v19 =	vor.u32 s0, v13;
	v18 =	vld [tilespmem:s2+$0x0];
	s2 =	simm.s32 $0x1  }
0x136: {  	[tilespmem:v23+s14+$0x0] =	vst.idx.msk $0xffff, v22;
	s17 =	sor.u32 $0x380, s17;
	v21 =	vor.u32 s8, v11;
	v20 =	vld [tilespmem:s16+$0x0];
	s2 =	sand.u32 $0x3, s2  }
0x137: {  	v23 =	vor.u32 s18, v8;
	v22 =	vld [tilespmem:s17+$0x4000];
	[tilespmem:v28+s14+$0x0] =	vst.idx.msk $0xffff, v27;
	s16 =	sshll.u32 s2, $0x5  }
0x138: {  	[tilespmem:v25+s14+$0x0] =	vst.idx.msk $0xffff, v24;
	v25 =	vor.u32 s22, v3;
	v24 =	vld [tilespmem:s25+$0x100];
	s16 =	sadd.s32 $0x100, s16  }
0x139: {  	s17 =	sor.u32 $0x6280, s9;
	v27 =	vor.u32 s5, v2;
	[tilespmem:v29+s14+$0x0] =	vst.idx.msk $0xffff, v26;
	v28 =	vld [tilespmem:s7+$0x80];
	s16 =	sor.u32 $0x300, s16  }
0x13a: {  	s24 =	sor.u32 s1, s17;
	v26 =	vor.u32 s15, v7;
	v29 =	vld [tilespmem:s16+$0x4000];
	[tilespmem:v19+s14+$0x0] =	vst.idx.msk $0xffff, v18  }
0x13b: {  	s2 =	sor.u32 s10, s26;
	s16 =	sor.u32 $0x6000, s29;
	[tilespmem:v21+s14+$0x0] =	vst.idx.msk $0xffff, v20;
	v19 =	vor.u32 s0, v14;
	v18 =	vld [tilespmem:s24+$0x0]  }
0x13c: {  	[tilespmem:v23+s14+$0x0] =	vst.idx.msk $0xffff, v22;
	v20 =	vor.u32 s8, v12;
	v21 =	vld [tilespmem:s2+$0x0];
	s26 =	sor.u32 s20, s16  }
0x13d: {  	v23 =	vor.u32 s18, v9;
	v22 =	vld [tilespmem:s26+$0x0];
	[tilespmem:v25+s14+$0x0] =	vst.idx.msk $0xffff, v24  }
0x13e: {  	s6 =	sor.u32 s6, s23;
	[tilespmem:v27+s14+$0x0] =	vst.idx.msk $0xffff, v28;
	v25 =	vor.u32 s22, v4;
	v24 =	vld [tilespmem:s25+$0x180]  }
0x13f: {  	s6 =	sor.u32 $0x380, s6;
	s24 =	sor.u32 $0x6300, s9;
	v27 =	vor.u32 s5, v3;
	v28 =	vld [tilespmem:s7+$0x100];
	[tilespmem:v26+s14+$0x0] =	vst.idx.msk $0xffff, v29  }
0x140: {  	s2 =	sor.u32 s1, s24;
	v26 =	vor.u32 s15, v8;
	v29 =	vld [tilespmem:s6+$0x4000];
	[tilespmem:v19+s14+$0x0] =	vst.idx.msk $0xffff, v18  }
0x141: {  	s12 =	sor.u32 s10, s12;
	s23 =	sor.u32 $0x6080, s29;
	[tilespmem:v20+s14+$0x0] =	vst.idx.msk $0xffff, v21;
	v19 =	vor.u32 s0, v15;
	v18 =	vld [tilespmem:s2+$0x0]  }
0x142: {  	s26 =	sor.u32 s20, s23;
	v20 =	vor.u32 s8, v13;
	[tilespmem:v23+s14+$0x0] =	vst.idx.msk $0xffff, v22;
	v21 =	vld [tilespmem:s12+$0x0]  }
0x143: {  	v23 =	vor.u32 s18, v10;
	v22 =	vld [tilespmem:s26+$0x0];
	[tilespmem:v25+s14+$0x0] =	vst.idx.msk $0xffff, v24  }
0x144: {  	[tilespmem:v27+s14+$0x0] =	vst.idx.msk $0xffff, v28;
	v25 =	vor.u32 s22, v5;
	v24 =	vld [tilespmem:s25+$0x200]  }
0x145: {  	s2 =	sor.u32 s3, s16;
	s16 =	sor.u32 $0x6380, s9;
	v27 =	vor.u32 s5, v4;
	v28 =	vld [tilespmem:s7+$0x180];
	[tilespmem:v26+s14+$0x0] =	vst.idx.msk $0xffff, v29  }
0x146: {  	s1 =	sor.u32 s1, s16;
	v26 =	vor.u32 s15, v9;
	v29 =	vld [tilespmem:s2+$0x0];
	[tilespmem:v19+s14+$0x0] =	vst.idx.msk $0xffff, v18  }
0x147: {  	s9 =	sor.u32 s10, s17;
	s2 =	sor.u32 $0x6100, s29;
	[tilespmem:v20+s14+$0x0] =	vst.idx.msk $0xffff, v21;
	v18 =	vld [tilespmem:s1+$0x0]  }
0x148: {  	v19 =	vor.u32 s8, v14;
	[tilespmem:v23+s14+$0x0] =	vst.idx.msk $0xffff, v22;
	s12 =	sor.u32 s20, s2;
	v20 =	vld [tilespmem:s9+$0x0]  }
0x149: {  	s28 =	simm.s32 $0x300;
	v22 =	vor.u32 s18, v11;
	v21 =	vld [tilespmem:s12+$0x0];
	[tilespmem:v25+s14+$0x0] =	vst.idx.msk $0xffff, v24  }
0x14a: {  	s31 =	simm.s32 $0x700;
	s30 =	simm.s32 $0x4;
	s26 =	simm.s32 $0x70;
	[tilespmem:v27+s14+$0x0] =	vst.idx.msk $0xffff, v28;
	v24 =	vor.u32 s22, v6;
	v23 =	vld [tilespmem:s25+$0x280]  }
0x14b: {  	s6 =	sor.u32 s3, s23;
	s23 =	sand.u32 $0x1C00, s28;
	v25 =	vor.u32 s5, v5;
	s12 =	sand.u32 $0x70, s26;
	v27 =	vld [tilespmem:s7+$0x200];
	[tilespmem:v26+s14+$0x0] =	vst.idx.msk $0xffff, v29  }
0x14c: {  	s17 =	sand.u32 $0x7, s30;
	s9 =	sor.u32 $0x4000, s23;
	v26 =	vor.u32 s0, v16;
	v28 =	vld [tilespmem:s6+$0x0];
	[dreg:$0x4] =	wrdreg s12  }
0x14d: {  	s1 =	sshll.u32 s17, $0x4;
	v29 =	vor.u32 s31, v0;
	s0 =	sor.u32 s12, s9;
	[tilespmem:v19+s14+$0x0] =	vst.idx.msk $0xffff, v20  }
0x14e: {  	s17 =	sor.u32 s10, s24;
	s1 =	sadd.s32 $0x200, s1;
	v29 =	vand.u32 v17, v29;
	s12 =	sor.u32 $0x6180, s29;
	v30 =	vld [tilespmem:s0+$0x0];
	[tilespmem:v22+s14+$0x0] =	vst.idx.msk $0xffff, v21  }
0x14f: {  	s1 =	sadd.s32 $0x10, s1;
	v20 =	vor.u32 s15, v10;
	v19 =	vld [tilespmem:s17+$0x0];
	s17 =	sor.u32 s20, s12;
	[tilespmem:v24+s14+$0x0] =	vst.idx.msk $0xffff, v23  }
0x150: {  	v22 =	vor.u32 s18, v12;
	[tilespmem:v25+s14+$0x0] =	vst.idx.msk $0xffff, v27;
	v21 =	vld [tilespmem:s17+$0x0];
	s17 =	sor.u32 $0x300, s1;
	s1 =	simm.s32 $0x60  }
0x151: {  	v24 =	vor.u32 s8, v15;
	v23 =	vld [tilespmem:s17+$0x4000];
	s6 =	sand.u32 $0x60, s1;
	s17 =	simm.s32 $0x600;
	[tilespmem:v26+s14+$0x0] =	vst.idx.msk $0xffff, v18  }
0x152: {  	v25 =	vld [tilespmem:s7+$0x280];
	v26 =	vor.u32 s22, v7;
	[dreg:$0x6] =	wrdreg s6;
	s9 =	sor.u32 s6, s9;
	v18 =	vor.u32 s17, v0  }
0x153: {  	v27 =	vld [tilespmem:s9+$0x0];
	v31 =	vand.u32 v1, v18;
	[tilespmem:v29+s14+$0x0] =	vst.idx.msk $0xffff, v30  }
0x154: {  	s2 =	sor.u32 s3, s2;
	s6 =	sor.u32 $0x6200, s29;
	[tilespmem:v20+s14+$0x0] =	vst.idx.msk $0xffff, v28;
	v28 =	vor.u32 s31, v2;
	v20 =	vld [tilespmem:s0+$0x80]  }
0x155: {  	s7 =	sor.u32 s10, s16;
	s10 =	simm.s32 $0x50;
	v30 =	vor.u32 s5, v6;
	v29 =	vld [tilespmem:s2+$0x0];
	s2 =	sor.u32 s20, s6;
	[tilespmem:v22+s14+$0x0] =	vst.idx.msk $0xffff, v21  }
0x156: {  	[tilespmem:v24+s14+$0x0] =	vst.idx.msk $0xffff, v19;
	v22 =	vor.u32 s18, v13;
	v21 =	vld [tilespmem:s2+$0x0];
	s2 =	sor.u32 s10, s13;
	s10 =	simm.s32 $0x2  }
0x157: {  	v24 =	vor.u32 s15, v11;
	v18 =	vld [tilespmem:s7+$0x0];
	[tilespmem:v26+s14+$0x0] =	vst.idx.msk $0xffff, v23;
	s10 =	sand.u32 $0x3, s10;
	s2 =	sor.u32 $0x380, s2  }
0x158: {  	v26 =	vld [tilespmem:s2+$0x4000];
	s7 =	sshll.u32 s10, $0x5;
	[tilespmem:v31+s14+$0x0] =	vst.idx.msk $0xffff, v27;
	v27 =	vor.u32 s22, v8  }
0x159: {  	v31 =	vor.u32 s17, v2;
	s2 =	sadd.s32 $0x200, s7;
	v32 =	vld [tilespmem:s9+$0x80];
	[tilespmem:v28+s14+$0x0] =	vst.idx.msk $0xffff, v20  }
0x15a: {  	v33 =	vor.u32 s31, v3;
	[tilespmem:v30+s14+$0x0] =	vst.idx.msk $0xffff, v25;
	s7 =	sor.u32 $0x6280, s29;
	s2 =	sor.u32 $0x300, s2;
	v28 =	vld [tilespmem:s0+$0x100]  }
0x15b: {  	v35 =	vor.u32 s5, v7;
	v19 =	vor.u32 s8, v16;
	s8 =	sor.u32 s20, s7;
	v30 =	vld [tilespmem:s2+$0x4000];
	[tilespmem:v22+s14+$0x0] =	vst.idx.msk $0xffff, v21  }
0x15c: {  	v37 =	vor.u32 s15, v12;
	v38 =	vor.u32 s18, v14;
	v23 =	vor.u32 s15, v14;
	s10 =	sor.u32 s3, s12;
	s12 =	sor.u32 $0x6000, s19;
	[tilespmem:v24+s14+$0x0] =	vst.idx.msk $0xffff, v29;
	v36 =	vld [tilespmem:s8+$0x0]  }
0x15d: {  	v25 =	vor.u32 s15, v13;
	v20 =	vor.u32 s15, v16;
	v21 =	vor.u32 s15, v15;
	s15 =	sor.u32 s4, s12;
	[tilespmem:v27+s14+$0x0] =	vst.idx.msk $0xffff, v26;
	v27 =	vld [tilespmem:s10+$0x0]  }
0x15e: {  	v51 =	vor.u32 s31, v4;
	v43 =	vor.u32 s22, v9;
	s24 =	smov.u32 s4;
	s25 =	smov.u32 s21;
	[tilespmem:v31+s14+$0x0] =	vst.idx.msk $0xffff, v32;
	v41 =	vld [tilespmem:s15+$0x0]  }
0x15f: {  	v54 =	vor.u32 s18, v15;
	s16 =	smov.u32 s19;
	s1 =	sor.u32 s1, s28;
	v46 =	vor.u32 s17, v3;
	s4 =	sor.u32 s11, s13;
	v48 =	vld [tilespmem:s9+$0x100];
	[tilespmem:v33+s14+$0x0] =	vst.idx.msk $0xffff, v28  }
0x160: {  	v47 =	vor.u32 s5, v8;
	v34 =	vor.u32 s5, v9;
	v44 =	vor.u32 s17, v4;
	s13 =	sor.u32 $0x6300, s29;
	s11 =	sor.u32 s3, s6;
	s2 =	sor.u32 $0x380, s4;
	v49 =	vld [tilespmem:s0+$0x180];
	[tilespmem:v35+s14+$0x0] =	vst.idx.msk $0xffff, v30  }
0x161: {  	v42 =	vor.u32 s17, v5;
	v40 =	vor.u32 s17, v6;
	v39 =	vor.u32 s17, v7;
	s6 =	sor.u32 $0x6080, s19;
	s8 =	simm.s32 $0x3;
	s10 =	sor.u32 s20, s13;
	v52 =	vld [tilespmem:s2+$0x4000];
	[tilespmem:v38+s14+$0x0] =	vst.idx.msk $0xffff, v36  }
0x162: {  	v29 =	vor.u32 s5, v12;
	v24 =	vor.u32 s5, v15;
	v22 =	vor.u32 s5, v16;
	s12 =	sor.u32 s21, s12;
	s4 =	sand.u32 $0x3, s8;
	s8 =	sor.u32 s24, s6;
	v53 =	vld [tilespmem:s10+$0x0];
	[tilespmem:v37+s14+$0x0] =	vst.idx.msk $0xffff, v27  }
0x163: {  	v26 =	vor.u32 s5, v14;
	s6 =	sor.u32 s21, s6;
	s21 =	sor.u32 $0x6380, s29;
	v32 =	vor.u32 s5, v10;
	v31 =	vor.u32 s5, v11;
	s4 =	sshll.u32 s4, $0x5;
	[tilespmem:v43+s14+$0x0] =	vst.idx.msk $0xffff, v41;
	v45 =	vld [tilespmem:s11+$0x0]  }
0x164: {  	s29 =	simm.s32 $0x70;
	s15 =	simm.s32 $0x6;
	v28 =	vor.u32 s5, v13;
	s4 =	sadd.s32 $0x300, s4;
	v33 =	vor.u32 s17, v12;
	v35 =	vor.u32 s17, v11;
	[tilespmem:v46+s14+$0x0] =	vst.idx.msk $0xffff, v48;
	v46 =	vld [tilespmem:s8+$0x0]  }
0x165: {  	s5 =	simm.s32 $0x4;
	s19 =	sor.u32 $0x300, s4;
	v30 =	vor.u32 s17, v15;
	s4 =	simm.s32 $0x300;
	v38 =	vor.u32 s17, v8;
	v36 =	vor.u32 s17, v14;
	v50 =	vld [tilespmem:s9+$0x180];
	[tilespmem:v51+s14+$0x0] =	vst.idx.msk $0xffff, v49  }
0x166: {  	s2 =	simm.s32 $0x700;
	s10 =	sor.u32 $0x380, s1;
	v37 =	vor.u32 s17, v10;
	s1 =	sor.u32 s3, s13;
	v27 =	vor.u32 s17, v16;
	v49 =	vld [tilespmem:s0+$0x200];
	[tilespmem:v47+s14+$0x0] =	vst.idx.msk $0xffff, v52;
	v47 =	vor.u32 s22, v10  }
0x167: {  	s13 =	sor.u32 s3, s21;
	v43 =	vor.u32 s17, v9;
	s11 =	sor.u32 s3, s7;
	v41 =	vor.u32 s17, v13;
	s7 =	sor.u32 s20, s21;
	v51 =	vor.u32 s31, v5;
	v48 =	vld [tilespmem:s12+$0x0];
	[tilespmem:v54+s14+$0x0] =	vst.idx.msk $0xffff, v53  }
.LBB2_8:
0x168: {  	_ = 	snop  }
0x169: {  	[dreg:$0x7] =	wrdreg s13;
	s12 =	sand.u32 $0x3, s5  }
0x16a: {  	s20 =	sor.u32 $0x6100, s16;
	v63 =	vld [tilespmem:s7+$0x0];
	v52 =	vor.u32 s18, v16;
	s21 =	smov.u32 s22;
	s26 =	sadd.s32 $0x20, s26;
	[tilespmem:v25+s14+$0x0] =	vst.idx.msk $0xffff, v45  }
0x16b: {  	s31 =	sadd.s32 $0x200, s31;
	s28 =	sadd.s32 $0x100, s28;
	s22 =	sor.u32 s24, s20;
	[tilespmem:v47+s14+$0x0] =	vst.idx.msk $0xffff, v46;
	v55 =	vld [tilespmem:s11+$0x0]  }
0x16c: {  	s30 =	sadd.s32 $0x2, s30;
	s18 =	smov.u32 s24;
	s7 =	sshll.u32 s12, $0x5;
	v57 =	vor.u32 s21, v11;
	[tilespmem:v44+s14+$0x0] =	vst.idx.msk $0xffff, v50;
	v56 =	vld [tilespmem:s22+$0x0]  }
0x16d: {  	s8 =	sor.u32 s25, s20;
	s13 =	sand.u32 $0x1C00, s28;
	s20 =	sand.u32 $0x7, s30;
	v58 =	vld [tilespmem:s9+$0x200];
	[tilespmem:v51+s14+$0x0] =	vst.idx.msk $0xffff, v49  }
0x16e: {  	v59 =	vor.u32 s2, v6;
	s17 =	sand.u32 $0x70, s26;
	s3 =	sor.u32 $0x4000, s13;
	s24 =	sshll.u32 s20, $0x4;
	[tilespmem:v34+s14+$0x0] =	vst.idx.msk $0xffff, v48;
	v49 =	vld [tilespmem:s0+$0x280]  }
0x16f: {  	v60 =	vor.u32 s31, v0;
	s20 =	smov.u32 s23;
	s23 =	simm.s32 $0xC000;
	s0 =	sor.u32 s17, s3;
	v48 =	vld [tilespmem:s6+$0x0];
	[tilespmem:v52+s14+$0x0] =	vst.idx.msk $0xffff, v63  }
0x170: {  	s12 =	sadd.s32 $0xFFFFFF00, s31;
	v34 =	vmov v43;
	s22 =	sadd.s32 $0xFFFFFFF0, s26;
	v43 =	vand.u32 v17, v60;
	s14 =	sor.u32 $0x6180, s16;
	v45 =	vld [tilespmem:s0+$0x0];
	[tilespmem:v23+s23+$0x0] =	vst.idx.msk $0xffff, v55  }
0x171: {  	s11 =	sand.u32 $0x60, s22;
	s6 =	sadd.s32 s4, s24;
	s24 =	sor.u32 s18, s14;
	[tilespmem:v57+s23+$0x0] =	vst.idx.msk $0xffff, v56;
	v61 =	vld [tilespmem:s1+$0x0]  }
0x172: {  	v25 =	vmov v28;
	v28 =	vmov v41;
	s7 =	sadd.s32 s7, s28;
	v46 =	vor.u32 s21, v12;
	s3 =	sor.u32 s11, s3;
	s6 =	sadd.s32 $0x10, s6;
	[tilespmem:v42+s23+$0x0] =	vst.idx.msk $0xffff, v58;
	v41 =	vld [tilespmem:s24+$0x0]  }
0x173: {  	v47 =	vld [tilespmem:s3+$0x0];
	s24 =	sor.u32 $0x300, s7;
	s7 =	sor.u32 s22, s28;
	[tilespmem:v59+s23+$0x0] =	vst.idx.msk $0xffff, v49;
	s22 =	sor.u32 $0x300, s6  }
0x174: {  	v53 =	vor.u32 s2, v7;
	v62 =	vor.u32 s12, v0;
	s1 =	sor.u32 s25, s14;
	s14 =	rddreg [dreg:$0x4];
	[tilespmem:v32+s23+$0x0] =	vst.idx.msk $0xffff, v48;
	s6 =	sor.u32 $0x380, s7;
	v50 =	vld [tilespmem:s22+$0x4000]  }
0x175: {  	v54 =	vor.u32 s12, v7;
	v49 =	vand.u32 v1, v62;
	[tilespmem:v43+s23+$0x0] =	vst.idx.msk $0xffff, v45;
	v45 =	vld [tilespmem:s9+$0x280];
	s7 =	smov.u32 s18;
	s18 =	smov.u32 s14;
	s14 =	smov.u32 s17  }
0x176: {  	v44 =	vor.u32 s12, v4;
	v51 =	vor.u32 s12, v2;
	v57 =	vor.u32 s31, v2;
	s9 =	sor.u32 $0x6200, s16;
	s17 =	smov.u32 s25;
	v56 =	vld [tilespmem:s0+$0x80];
	[dreg:$0x4] =	wrdreg s14;
	[tilespmem:v21+s23+$0x0] =	vst.idx.msk $0xffff, v61  }
0x177: {  	v52 =	vor.u32 s12, v3;
	v23 =	vmovc v26;
	v26 =	vmovc v36;
	v55 =	vor.u32 s12, v8;
	v36 =	vor.u32 s12, v14;
	s14 =	rddreg [dreg:$0x6];
	v60 =	vld [tilespmem:s8+$0x0];
	s8 =	sor.u32 s17, s9;
	[tilespmem:v46+s23+$0x0] =	vst.idx.msk $0xffff, v41;
	s9 =	sor.u32 s7, s9  }
0x178: {  	v42 =	vor.u32 s12, v5;
	v58 =	vor.u32 s12, v11;
	s25 =	smov.u32 s14;
	s14 =	sor.u32 s29, s4;
	v61 =	vor.u32 s21, v13;
	[tilespmem:v19+s23+$0x0] =	vst.idx.msk $0xffff, v18;
	v46 =	vld [tilespmem:s9+$0x0];
	s9 =	rddreg [dreg:$0x7]  }
0x179: {  	v32 =	vmovc v37;
	v48 =	vor.u32 s12, v6;
	v37 =	vor.u32 s12, v10;
	v59 =	vor.u32 s12, v12;
	s22 =	smov.u32 s2;
	s14 =	sor.u32 $0x380, s14;
	[tilespmem:v53+s23+$0x0] =	vst.idx.msk $0xffff, v50;
	v18 =	vld [tilespmem:s9+$0x0]  }
0x17a: {  	v43 =	vor.u32 s12, v9;
	v63 =	vor.u32 s22, v8;
	v21 =	vmovc v24;
	v24 =	vmovc v30;
	v30 =	vor.u32 s12, v15;
	s9 =	smov.u32 s3;
	[tilespmem:v49+s23+$0x0] =	vst.idx.msk $0xffff, v47;
	v47 =	vld [tilespmem:s14+$0x4000]  }
0x17b: {  	v41 =	vor.u32 s12, v13;
	v19 =	vmovc v20;
	v20 =	vmovc v22;
	v22 =	vmov v27;
	v27 =	vor.u32 s12, v16;
	s12 =	smov.u32 s11;
	[tilespmem:v57+s23+$0x0] =	vst.idx.msk $0xffff, v56;
	v50 =	vld [tilespmem:s9+$0x80]  }
0x17c: {  	v62 =	vor.u32 s31, v3;
	[dreg:$0x6] =	wrdreg s12;
	s12 =	sor.u32 $0x6280, s16;
	v53 =	vld [tilespmem:s0+$0x100];
	[tilespmem:v40+s23+$0x0] =	vst.idx.msk $0xffff, v45  }
0x17d: {  	s3 =	sor.u32 s7, s12;
	v45 =	vld [tilespmem:s19+$0x4000];
	[tilespmem:v61+s23+$0x0] =	vst.idx.msk $0xffff, v46  }
0x17e: {  	s14 =	sor.u32 $0x6000, s20;
	v40 =	vmov v48;
	v48 =	vor.u32 s21, v14;
	s19 =	smov.u32 s24;
	s24 =	smov.u32 s18;
	[tilespmem:v31+s23+$0x0] =	vst.idx.msk $0xffff, v60;
	v46 =	vld [tilespmem:s3+$0x0]  }
0x17f: {  	s11 =	sor.u32 s17, s12;
	s12 =	sor.u32 s24, s14;
	[tilespmem:v63+s23+$0x0] =	vst.idx.msk $0xffff, v47;
	v63 =	vld [tilespmem:s1+$0x0]  }
0x180: {  	v60 =	vor.u32 s22, v9;
	[tilespmem:v51+s23+$0x0] =	vst.idx.msk $0xffff, v50;
	v49 =	vld [tilespmem:s12+$0x0]  }
0x181: {  	[tilespmem:v62+s23+$0x0] =	vst.idx.msk $0xffff, v53;
	v51 =	vld [tilespmem:s9+$0x100]  }
0x182: {  	s15 =	sadd.s32 $0x2, s15;
	v61 =	vor.u32 s31, v4;
	s3 =	sor.u32 s25, s14;
	s14 =	sor.u32 $0x6300, s16;
	v53 =	vld [tilespmem:s0+$0x180];
	[tilespmem:v39+s23+$0x0] =	vst.idx.msk $0xffff, v45  }
0x183: {  	s1 =	sor.u32 s17, s14;
	s12 =	sor.u32 s7, s14;
	s14 =	sor.u32 $0x6080, s20;
	v62 =	vld [tilespmem:s10+$0x4000];
	[tilespmem:v48+s23+$0x0] =	vst.idx.msk $0xffff, v46  }
0x184: {  	p4 =	slt.u32 s15, $0x3E;
	s10 =	smov.u32 s6;
	s6 =	sor.u32 s25, s14;
	[tilespmem:v29+s23+$0x0] =	vst.idx.msk $0xffff, v63;
	v63 =	vor.u32 s21, v15;
	v57 =	vld [tilespmem:s12+$0x0]  }
.Ltmp7:
0x185: {  	[tilespmem:v60+s23+$0x0] =	vst.idx.msk $0xffff, v49;
	s23 =	sor.u32 s24, s14;
	s14 =	simm.s32 $0xC000;
	v45 =	vld [tilespmem:s8+$0x0];
	(pc) =	sbr.rel @p4 .LBB2_8-.Ltmp7, $4  }
0x186: {  	s5 =	sadd.s32 $0x1, s5;
	[tilespmem:v52+s14+$0x0] =	vst.idx.msk $0xffff, v51;
	v46 =	vld [tilespmem:s23+$0x0]  }
0x187: {  	s2 =	smov.u32 s31;
	s29 =	smov.u32 s26;
	s4 =	smov.u32 s28;
	[tilespmem:v61+s14+$0x0] =	vst.idx.msk $0xffff, v53;
	v50 =	vld [tilespmem:s9+$0x180]  }
0x188: {  	s18 =	smov.u32 s21;
	v31 =	vmov v35;
	v35 =	vmov v58;
	v47 =	vor.u32 s22, v10;
	s21 =	sor.u32 $0x6380, s16;
	s16 =	smov.u32 s20;
	v49 =	vld [tilespmem:s0+$0x200];
	[tilespmem:v38+s14+$0x0] =	vst.idx.msk $0xffff, v62  }
0x189: {  	v39 =	vmovc v54;
	v29 =	vmovc v33;
	v33 =	vmov v59;
	s7 =	sor.u32 s7, s21;
	v51 =	vor.u32 s31, v5;
	s23 =	smov.u32 s13;
	s13 =	sor.u32 s17, s21;
	v38 =	vmov v55;
	v48 =	vld [tilespmem:s3+$0x0];
	[tilespmem:v63+s14+$0x0] =	vst.idx.msk $0xffff, v57  }
0x18a: {  	_ =	sdelay $0x3  }
0x18b: {  	[tilespmem:v44+s14+$0x0] =	vst.idx.msk $0xffff, v50  }
0x18c: {  	v44 =	vld [tilespmem:s9+$0x200];
	[tilespmem:v51+s14+$0x0] =	vst.idx.msk $0xffff, v49  }
0x18d: {  	s5 =	sadd.s32 $0x2, s30;
	v57 =	vor.u32 s2, v6;
	v49 =	vld [tilespmem:s0+$0x280]  }
0x18e: {  	s3 =	sand.u32 $0x7, s5  }
0x18f: {  	s0 =	sshll.u32 s3, $0x4  }
0x190: {  	s0 =	sadd.s32 s4, s0  }
0x191: {  	s0 =	sadd.s32 $0x10, s0;
	[tilespmem:v42+s14+$0x0] =	vst.idx.msk $0xffff, v44  }
0x192: {  	s0 =	sor.u32 $0x300, s0;
	v42 =	vld [tilespmem:s9+$0x280];
	[tilespmem:v57+s14+$0x0] =	vst.idx.msk $0xffff, v49  }
0x193: {  	v59 =	vor.u32 s2, v7;
	v58 =	vld [tilespmem:s0+$0x4000];
	_ =	sdelay $0x3  }
0x194: {  	s4 =	sor.u32 s29, s4;
	[tilespmem:v40+s14+$0x0] =	vst.idx.msk $0xffff, v42  }
0x195: {  	s0 =	sor.u32 $0x380, s4;
	v40 =	vld [tilespmem:s19+$0x4000];
	[tilespmem:v59+s14+$0x0] =	vst.idx.msk $0xffff, v58  }
0x196: {  	v61 =	vor.u32 s2, v8;
	v60 =	vld [tilespmem:s0+$0x4000];
	_ =	sdelay $0x3  }
0x197: {  	[tilespmem:v39+s14+$0x0] =	vst.idx.msk $0xffff, v40  }
0x198: {  	[tilespmem:v61+s14+$0x0] =	vst.idx.msk $0xffff, v60  }
0x199: {  	s5 =	sor.u32 $0x6000, s23;
	v39 =	vld [tilespmem:s10+$0x4000];
	s3 =	rddreg [dreg:$0x4]  }
0x19a: {  	s8 =	sor.u32 s3, s5  }
0x19b: {  	v63 =	vor.u32 s2, v9;
	v62 =	vld [tilespmem:s8+$0x0];
	_ =	sdelay $0x1  }
0x19c: {  	s8 =	rddreg [dreg:$0x6]  }
0x19d: {  	s0 =	sor.u32 s8, s5;
	[tilespmem:v38+s14+$0x0] =	vst.idx.msk $0xffff, v39  }
0x19e: {  	s9 =	sor.u32 $0x6080, s23;
	v38 =	vld [tilespmem:s0+$0x0]  }
0x19f: {  	s10 =	sor.u32 s3, s9;
	[tilespmem:v63+s14+$0x0] =	vst.idx.msk $0xffff, v62  }
0x1a0: {  	v49 =	vor.u32 s2, v10;
	[tilespmem:v34+s14+$0x0] =	vst.idx.msk $0xffff, v48;
	v48 =	vld [tilespmem:s10+$0x0];
	_ =	sdelay $0x2  }
0x1a1: {  	s12 =	sor.u32 $0x6100, s16;
	v50 =	vld [tilespmem:s6+$0x0];
	s0 =	sor.u32 s8, s9;
	[tilespmem:v43+s14+$0x0] =	vst.idx.msk $0xffff, v38  }
0x1a2: {  	s17 =	sor.u32 $0x6100, s23;
	s15 =	sor.u32 s24, s12;
	[tilespmem:v47+s14+$0x0] =	vst.idx.msk $0xffff, v46;
	v38 =	vld [tilespmem:s0+$0x0]  }
0x1a3: {  	v52 =	vor.u32 s22, v11;
	s19 =	sor.u32 s3, s17;
	v51 =	vld [tilespmem:s15+$0x0];
	[tilespmem:v49+s14+$0x0] =	vst.idx.msk $0xffff, v48  }
0x1a4: {  	v54 =	vor.u32 s2, v11;
	v53 =	vld [tilespmem:s19+$0x0];
	_ =	sdelay $0x1  }
0x1a5: {  	s4 =	sor.u32 s25, s12;
	[tilespmem:v32+s14+$0x0] =	vst.idx.msk $0xffff, v50  }
0x1a6: {  	s20 =	sor.u32 $0x6180, s16;
	v55 =	vld [tilespmem:s4+$0x0];
	s0 =	sor.u32 s8, s17;
	[tilespmem:v37+s14+$0x0] =	vst.idx.msk $0xffff, v38  }
0x1a7: {  	s26 =	sor.u32 $0x6180, s23;
	s21 =	sor.u32 s24, s20;
	[tilespmem:v52+s14+$0x0] =	vst.idx.msk $0xffff, v51;
	v37 =	vld [tilespmem:s0+$0x0]  }
0x1a8: {  	v57 =	vor.u32 s22, v12;
	s28 =	sor.u32 s3, s26;
	v56 =	vld [tilespmem:s21+$0x0];
	[tilespmem:v54+s14+$0x0] =	vst.idx.msk $0xffff, v53  }
0x1a9: {  	v59 =	vor.u32 s2, v12;
	v58 =	vld [tilespmem:s28+$0x0];
	_ =	sdelay $0x1  }
0x1aa: {  	s4 =	sor.u32 s25, s20;
	[tilespmem:v31+s14+$0x0] =	vst.idx.msk $0xffff, v55  }
0x1ab: {  	s29 =	sor.u32 $0x6200, s16;
	v60 =	vld [tilespmem:s4+$0x0];
	s0 =	sor.u32 s8, s26;
	[tilespmem:v35+s14+$0x0] =	vst.idx.msk $0xffff, v37  }
0x1ac: {  	s31 =	sor.u32 $0x6200, s23;
	s30 =	sor.u32 s24, s29;
	[tilespmem:v57+s14+$0x0] =	vst.idx.msk $0xffff, v56;
	v35 =	vld [tilespmem:s0+$0x0]  }
0x1ad: {  	s6 =	sor.u32 s3, s31;
	v62 =	vor.u32 s22, v13;
	v61 =	vld [tilespmem:s30+$0x0];
	[tilespmem:v59+s14+$0x0] =	vst.idx.msk $0xffff, v58  }
0x1ae: {  	v39 =	vor.u32 s2, v13;
	v63 =	vld [tilespmem:s6+$0x0]  }
0x1af: {  	[tilespmem:v25+s14+$0x0] =	vst.idx.msk $0xffff, v45  }
0x1b0: {  	v44 =	vld [tilespmem:s11+$0x0];
	s4 =	sor.u32 s25, s29;
	[tilespmem:v29+s14+$0x0] =	vst.idx.msk $0xffff, v60  }
0x1b1: {  	s9 =	sor.u32 $0x6280, s16;
	v40 =	vld [tilespmem:s4+$0x0];
	s0 =	sor.u32 s8, s31;
	[tilespmem:v33+s14+$0x0] =	vst.idx.msk $0xffff, v35  }
0x1b2: {  	s12 =	sor.u32 $0x6280, s23;
	s10 =	sor.u32 s24, s9;
	[tilespmem:v62+s14+$0x0] =	vst.idx.msk $0xffff, v61;
	v33 =	vld [tilespmem:s0+$0x0]  }
0x1b3: {  	s15 =	sor.u32 s3, s12;
	v43 =	vor.u32 s22, v14;
	v42 =	vld [tilespmem:s10+$0x0];
	[tilespmem:v39+s14+$0x0] =	vst.idx.msk $0xffff, v63  }
0x1b4: {  	v46 =	vor.u32 s2, v14;
	v45 =	vld [tilespmem:s15+$0x0]  }
0x1b5: {  	[tilespmem:v23+s14+$0x0] =	vst.idx.msk $0xffff, v44  }
0x1b6: {  	v53 =	vld [tilespmem:s1+$0x0];
	s4 =	sor.u32 s25, s9;
	[tilespmem:v28+s14+$0x0] =	vst.idx.msk $0xffff, v40  }
0x1b7: {  	s17 =	sor.u32 $0x6300, s16;
	v47 =	vld [tilespmem:s4+$0x0];
	s0 =	sor.u32 s8, s12;
	[tilespmem:v41+s14+$0x0] =	vst.idx.msk $0xffff, v33  }
0x1b8: {  	v50 =	vor.u32 s18, v16;
	s18 =	sor.u32 s24, s17;
	s19 =	sor.u32 $0x6300, s23;
	[tilespmem:v43+s14+$0x0] =	vst.idx.msk $0xffff, v42;
	v48 =	vld [tilespmem:s0+$0x0]  }
0x1b9: {  	v52 =	vor.u32 s22, v15;
	s20 =	sor.u32 s3, s19;
	v51 =	vld [tilespmem:s18+$0x0];
	[tilespmem:v46+s14+$0x0] =	vst.idx.msk $0xffff, v45  }
0x1ba: {  	[tilespmem:v19+s14+$0x0] =	vst.idx.msk $0xffff, v18;
	v55 =	vor.u32 s2, v15;
	v54 =	vld [tilespmem:s20+$0x0]  }
0x1bb: {  	v49 =	vld [tilespmem:s7+$0x0];
	[tilespmem:v21+s14+$0x0] =	vst.idx.msk $0xffff, v53  }
0x1bc: {  	v60 =	vld [tilespmem:s13+$0x0];
	s4 =	sor.u32 s25, s17;
	[tilespmem:v26+s14+$0x0] =	vst.idx.msk $0xffff, v47  }
0x1bd: {  	s21 =	sor.u32 $0x6380, s16;
	v56 =	vld [tilespmem:s4+$0x0];
	s0 =	sor.u32 s8, s19;
	[tilespmem:v36+s14+$0x0] =	vst.idx.msk $0xffff, v48  }
0x1be: {  	s26 =	sor.u32 s24, s21;
	s28 =	sor.u32 $0x6380, s23;
	[tilespmem:v52+s14+$0x0] =	vst.idx.msk $0xffff, v51;
	v57 =	vld [tilespmem:s0+$0x0]  }
0x1bf: {  	s3 =	sor.u32 s3, s28;
	v59 =	vor.u32 s22, v16;
	v58 =	vld [tilespmem:s26+$0x0];
	[tilespmem:v55+s14+$0x0] =	vst.idx.msk $0xffff, v54  }
0x1c0: {  	[tilespmem:v50+s14+$0x0] =	vst.idx.msk $0xffff, v49;
	v62 =	vor.u32 s2, v16;
	v61 =	vld [tilespmem:s3+$0x0]  }
0x1c1: {  	[tilespmem:v20+s14+$0x0] =	vst.idx.msk $0xffff, v60  }
0x1c2: {  	s1 =	sor.u32 s25, s21;
	[tilespmem:v24+s14+$0x0] =	vst.idx.msk $0xffff, v56  }
0x1c3: {  	v63 =	vld [tilespmem:s1+$0x0];
	s0 =	sor.u32 s8, s28;
	[tilespmem:v30+s14+$0x0] =	vst.idx.msk $0xffff, v57  }
0x1c4: {  	[tilespmem:v59+s14+$0x0] =	vst.idx.msk $0xffff, v58;
	v18 =	vld [tilespmem:s0+$0x0]  }
0x1c5: {  	[tilespmem:v62+s14+$0x0] =	vst.idx.msk $0xffff, v61  }
0x1c6: {  	s29 =	rddreg [dreg:$0xf]  }
.Ltmp8:
0x1c7: {  	s0 =	sshll.u32 s29, $0xB;
	(pc) =	sbr.rel .LBB2_10-.Ltmp8, $4  }
0x1c8: {  	s30 =	rddreg [dreg:$0x2];
	[tilespmem:v22+s14+$0x0] =	vst.idx.msk $0xffff, v63;
	s0 =	sand.u32 $0x1FFFF800, s0  }
0x1c9: {  	s31 =	simm.s32 $0x0;
	s8 =	rddreg [dreg:$0x0];
	[tilespmem:v27+s14+$0x0] =	vst.idx.msk $0xffff, v18;
	s0 =	sadd.s32 s30, s0  }
0x1ca: {  	[hbm4b:s0+s31] =	stream.linear.scatter [tilespmem:s14], [sflag:$0x4], $0x4000, $0x38;
	[tilespmem:$0x10000] =	vst v63  }
0x1cb: {  	s18 =	simm.s32 $0x8000;
	s4 =	rddreg [dreg:$0xe];
	s14 =	simm.s32 $0xC000  }
.LBB2_12:
0x1cc: {  	_ =	sfence.sel $0x180000  }
0x1cd: {  	[bflag:$0x0] =	sbarrier.arrive $0xFFFF  }
0x1ce: {  	_ =	strace $0x90000047  }
0x1cf: {  	s0 =	stileid.u32;
	[bflag:$0x2] =	sbarrier.arrive $0xFFFF  }
0x1d0: {  	p0 =	sne.s32 s0, $0x0;
	s0 =	rddreg [dreg:$0x3]  }
0x1d1: {  	s0 =	sadd.s32 @!p0 $0x100000, s0  }
0x1d2: {  	[sflag:s0] =	ssyncadd.tile.s32 @!p0 $0x1;
	_ =	shalt  }
.Lfunc_end2:
_tile_overlayer_lowered:
.L_overlay_start_2:
0x1d3: {  	(tag) =	ssettag $0x2  }
0x1d4: {  	s0 =	rddreg [dreg:$0x0];
	s2 =	stileid.u32  }
0x1d5: {  	s1 =	rddreg [dreg:$0x1];
	p0 =	sne.s32 s2, $0x0  }
0x1d6: {  	s3 =	rddreg [dreg:$0x2];
	[bflag:$0x3] =	sbarrier.arrive $0xFFFF;
	s2 =	simm.s32 @!p0 $0x1C05  }
0x1d7: {  	[timem:s3], [sflag:s2] =	dma.local @!p0 [hbm:s0], s1  }
0x1d8: {  	s0 =	simm.s32 @!p0 $0x5  }
0x1d9: {  	_ =	swait.ge @!p0 [sflag:s0], s1  }
0x1da: {  	s1 =	ssub.s32 @!p0 $0x0, s1;
	[sflag:s0] =	ssyncset.done @!p0 $0x0  }
0x1db: {  	[sflag:s0] =	ssyncadd.s32 @!p0 s1  }
0x1dc: {  	[bflag:$0x3] =	sbarrier.arrive $0xFFFF  }
0x1dd: {  	_ =	shalt  }

</sc_bundles>
